<compile_context>
chip_gen: v7x
topology: tpu7x:2x2x1
jax: 0.10.2.dev20260603
libtpu: 0.0.44.dev20260713+nightly
codegen_flags: <defaults>
</compile_context>

<pallas_src>
import functools

import jax
import jax.numpy as jnp
from jax import lax
from jax.experimental import pallas as pl
from jax.experimental.pallas import tpu as pltpu
from jax.experimental.pallas import tpu_sc as plsc

N = 10000
E = 320000
D = 128
HD = 64
G = 64

NPAD = 10240
CHUNK = 128
NROWS = 2560
E_PAD = NROWS * CHUNK
NCH = NROWS // 16
EPT = NCH * CHUNK
ROWS_PT = NPAD // 16


def _sc_segment_sum(xs, srcb, dst2d, zeros_rows):

    @functools.partial(
        pl.kernel,
        out_type=jax.ShapeDtypeStruct((2 * NPAD, HD), jnp.float32),
        mesh=plsc.VectorSubcoreMesh(core_axis_name="c", subcore_axis_name="s"),
        compiler_params=pltpu.CompilerParams(use_tc_tiling_on_sc=False),
        scratch_types=[
            pltpu.VMEM((NCH, CHUNK), jnp.int32),
            pltpu.VMEM((NCH, CHUNK), jnp.int32),
            pltpu.VMEM((CHUNK, HD), jnp.float32),
            pltpu.VMEM((CHUNK, HD), jnp.float32),
            pltpu.VMEM((CHUNK, HD), jnp.float32),
            pltpu.VMEM((CHUNK, HD), jnp.float32),
            pltpu.SemaphoreType.DMA,
            pltpu.SemaphoreType.DMA,
            pltpu.VMEM_SHARED((NPAD, HD), jnp.float32),
            pltpu.SemaphoreType.DMA,
            pltpu.SemaphoreType.DMA,
        ],
    )
    def k(x_h, src_h, dst_h, z_h, out_h, src_v, dst_v, rowa, rowb, rowc, rowd,
          semc, semd, acc, sema, semb):
        c = lax.axis_index("c")
        s = lax.axis_index("s")

        pltpu.sync_copy(src_h.at[pl.ds(c * NROWS + s * NCH, NCH)], src_v)
        pltpu.sync_copy(dst_h.at[pl.ds(s * NCH, NCH)], dst_v)
        pltpu.sync_copy(z_h.at[pl.ds(s * ROWS_PT, ROWS_PT)],
                        acc.at[pl.ds(s * ROWS_PT, ROWS_PT)])
        plsc.subcore_barrier()

        bufs = [(rowa, sema), (rowb, semb), (rowc, semc), (rowd, semd)]
        for b, (buf, sem) in enumerate(bufs):
            pltpu.async_copy(x_h.at[src_v.at[b]], buf, sem)

        def step(j, buf, sem):
            pltpu.make_async_copy(x_h.at[src_v.at[j]], buf, sem).wait()
            pltpu.sync_copy(buf, acc.at[dst_v.at[j]], add=True)

            @pl.when(j + 4 < NCH)
            def _():
                pltpu.async_copy(x_h.at[src_v.at[j + 4]], buf, sem)

        def body(i, _):
            j = i * 4
            for b, (buf, sem) in enumerate(bufs):
                step(j + b, buf, sem)
            return 0

        lax.fori_loop(0, NCH // 4, body, 0)
        plsc.subcore_barrier()
        pltpu.sync_copy(
            acc.at[pl.ds(s * ROWS_PT, ROWS_PT)],
            out_h.at[pl.ds(c * NPAD + s * ROWS_PT, ROWS_PT)],
        )

    return k(xs, srcb, dst2d, zeros_rows)


def _tc_root(xs, w_root, b):
    BN = 1280
    NB = NPAD // BN

    def body(xl_r, xh_r, wt_r, b_r, o_r):
        f = pl.program_id(0)
        wt = wt_r[...]
        h = lax.dot_general(xl_r[...], wt[:, :HD], (((1,), (1,)), ((), ())),
                            preferred_element_type=jnp.float32)
        h = h + lax.dot_general(xh_r[...], wt[:, HD:], (((1,), (1,)), ((), ())),
                                preferred_element_type=jnp.float32)
        t = h + b_r[...]
        o_r[...] = jnp.where(f == 0, t[:, :HD], t[:, HD:])

    lo = pl.BlockSpec((BN, HD), lambda f, i: (i, 0))
    hi = pl.BlockSpec((BN, HD), lambda f, i: (NB + i, 0))
    return pl.pallas_call(
        body,
        grid=(2, NB),
        in_specs=[lo, hi, pl.BlockSpec((D, D), lambda f, i: (0, 0)),
                  pl.BlockSpec((1, D), lambda f, i: (0, 0))],
        out_specs=pl.BlockSpec((BN, HD), lambda f, i: (f * NB + i, 0)),
        out_shape=jax.ShapeDtypeStruct((2 * NPAD, HD), jnp.float32),
    )(xs, xs, w_root, b)


def _tc_rel(aggs, r, w_rel):
    BN = 1280
    NB = NPAD // BN

    def body(al_r, ah_r, rl_r, rh_r, wr_r, o_r):
        f = pl.program_id(0)
        wr = wr_r[...]
        h = lax.dot_general(al_r[...], wr[:, :HD], (((1,), (1,)), ((), ())),
                            preferred_element_type=jnp.float32)
        h = h + lax.dot_general(ah_r[...], wr[:, HD:], (((1,), (1,)), ((), ())),
                                preferred_element_type=jnp.float32)
        t = jnp.tanh(h + jnp.concatenate([rl_r[...], rh_r[...]], axis=1))
        o_r[...] = jnp.where(f == 0, t[:, :HD], t[:, HD:])

    lo = pl.BlockSpec((BN, HD), lambda f, i: (i, 0))
    hi = pl.BlockSpec((BN, HD), lambda f, i: (NB + i, 0))
    return pl.pallas_call(
        body,
        grid=(2, NB),
        in_specs=[lo, hi, lo, hi, pl.BlockSpec((D, D), lambda f, i: (0, 0))],
        out_specs=pl.BlockSpec((BN, HD), lambda f, i: (f * NB + i, 0)),
        out_shape=jax.ShapeDtypeStruct((2 * NPAD, HD), jnp.float32),
    )(aggs, aggs, r, r, w_rel)


def _tc_rel_pool(aggs, r, w_rel, batch3d):
    BN = 1280
    NB = NPAD // BN
    SUB = BN // 128

    def body(al_r, ah_r, rl_r, rh_r, wr_r, bat_r, o_r, sums, counts):
        i = pl.program_id(0)

        @pl.when(i == 0)
        def _():
            sums[...] = jnp.zeros_like(sums)
            counts[...] = jnp.zeros_like(counts)

        wr = wr_r[...]
        h = lax.dot_general(al_r[...], wr[:, :HD], (((1,), (1,)), ((), ())),
                            preferred_element_type=jnp.float32)
        h = h + lax.dot_general(ah_r[...], wr[:, HD:], (((1,), (1,)), ((), ())),
                                preferred_element_type=jnp.float32)
        x2 = jnp.tanh(h + jnp.concatenate([rl_r[...], rh_r[...]], axis=1))

        s_acc = jnp.zeros((G, D), jnp.float32)
        c_acc = jnp.zeros((G, D), jnp.float32)
        ones = jnp.ones((128, D), jnp.float32)
        for t in range(SUB):
            bat = bat_r[...][t].reshape(1, 128)
            oh = (lax.broadcasted_iota(jnp.int32, (G, 128), 0)
                  == jnp.broadcast_to(bat, (G, 128))).astype(jnp.float32)
            s_acc = s_acc + lax.dot_general(
                oh, x2[t * 128:(t + 1) * 128, :], (((1,), (0,)), ((), ())),
                preferred_element_type=jnp.float32)
            c_acc = c_acc + lax.dot_general(
                oh, ones, (((1,), (0,)), ((), ())),
                preferred_element_type=jnp.float32)
        sums[...] += s_acc
        counts[...] += c_acc

        @pl.when(i == pl.num_programs(0) - 1)
        def _():
            o_r[...] = sums[...] / jnp.maximum(counts[...], 1.0)

    lo = pl.BlockSpec((BN, HD), lambda i: (i, 0))
    hi = pl.BlockSpec((BN, HD), lambda i: (NB + i, 0))
    return pl.pallas_call(
        body,
        grid=(NB,),
        in_specs=[lo, hi, lo, hi, pl.BlockSpec((D, D), lambda i: (0, 0)),
                  pl.BlockSpec((SUB, 1, 128), lambda i: (i, 0, 0))],
        out_specs=pl.BlockSpec((G, D), lambda i: (0, 0)),
        out_shape=jax.ShapeDtypeStruct((G, D), jnp.float32),
        scratch_shapes=[pltpu.VMEM((G, D), jnp.float32),
                        pltpu.VMEM((G, D), jnp.float32)],
    )(aggs, aggs, r, r, w_rel, batch3d)


def kernel(x, edge_index, batch, W1_rel, b1_rel, W1_root, W2_rel, b2_rel, W2_root):
    zpad = jnp.zeros((NPAD - N, HD), x.dtype)
    xs = jnp.concatenate([x[:, :HD], zpad, x[:, HD:], zpad], axis=0)
    pad_idx = N + jnp.arange(E_PAD - E, dtype=jnp.int32) % (NPAD - N)
    epad2d = jnp.concatenate(
        [edge_index, jnp.broadcast_to(pad_idx, (2, E_PAD - E))], axis=1
    ).reshape(2, NROWS, CHUNK)
    srcb = (epad2d[0][None] + jnp.array([0, NPAD], jnp.int32)[:, None, None]
            ).reshape(2 * NROWS, CHUNK)
    dst2d = epad2d[1]
    batch3d = jnp.concatenate(
        [batch, jnp.full((NPAD - N,), G, jnp.int32)]).reshape(NPAD // 128, 1, 128)
    zeros_rows = jnp.zeros((NPAD, HD), jnp.float32)
    b1 = b1_rel.reshape(1, D)
    b2 = b2_rel.reshape(1, D)

    agg1 = _sc_segment_sum(xs, srcb, dst2d, zeros_rows)
    r1 = _tc_root(xs, W1_root, b1)
    x1 = _tc_rel(agg1, r1, W1_rel)
    agg2 = _sc_segment_sum(x1, srcb, dst2d, zeros_rows)
    r2 = _tc_root(x1, W2_root, b2)
    return _tc_rel_pool(agg2, r2, W2_rel, batch3d)

# --- scband reference (transcript-rebuilt; emitter-appended) ---
"""Pipeline reference for scband-critic-gn-33930241638933 (READ-ONLY COPY).

The authoritative reference and input builder live on the scoring server;
editing this copy changes nothing except your own understanding.
"""

import jax, jax.numpy as jnp
import numpy as np

N = 10000
E = 320000
D = 128
H = 128
O = 128
G = 64


def setup_inputs(seed: int = 0) -> dict:
    key = jax.random.key(seed)
    ks = jax.random.split(key, 10)
    x = jax.random.normal(ks[0], (N, D), dtype=jnp.float32)
    edge_index = jax.random.randint(ks[1], (2, E), 0, N, dtype=jnp.int32)
    batch = jnp.sort(jax.random.randint(ks[2], (N,), 0, G, dtype=jnp.int32))
    # GraphConv layer 1: lin_rel (with bias) applied to aggregated neighbors,
    # lin_root (no bias) applied to self features. torch Linear convention y = x @ W.T + b
    W1_rel = jax.random.normal(ks[3], (H, D), dtype=jnp.float32) * 0.05
    b1_rel = jax.random.normal(ks[4], (H,), dtype=jnp.float32) * 0.05
    W1_root = jax.random.normal(ks[5], (H, D), dtype=jnp.float32) * 0.05
    # GraphConv layer 2
    W2_rel = jax.random.normal(ks[6], (O, H), dtype=jnp.float32) * 0.05
    b2_rel = jax.random.normal(ks[7], (O,), dtype=jnp.float32) * 0.05
    W2_root = jax.random.normal(ks[8], (O, H), dtype=jnp.float32) * 0.05
    return {
        "x": x,
        "edge_index": edge_index,
        "batch": batch,
        "W1_rel": W1_rel,
        "b1_rel": b1_rel,
        "W1_root": W1_root,
        "W2_rel": W2_rel,
        "b2_rel": b2_rel,
        "W2_root": W2_root,
    }


def reference(x, edge_index, batch, W1_rel, b1_rel, W1_root, W2_rel, b2_rel, W2_root):
    src = edge_index[0]
    dst = edge_index[1]
    # GraphConv(aggr='add'): out = lin_rel(sum_{j in N(i)} x_j) + lin_root(x_i)
    agg1 = jax.ops.segment_sum(jnp.take(x, src, axis=0), dst, num_segments=N)
    x1 = jnp.tanh(agg1 @ W1_rel.T + b1_rel + x @ W1_root.T)
    agg2 = jax.ops.segment_sum(jnp.take(x1, src, axis=0), dst, num_segments=N)
    x2 = jnp.tanh(agg2 @ W2_rel.T + b2_rel + x1 @ W2_root.T)
    # global_mean_pool over graph ids
    sums = jax.ops.segment_sum(x2, batch, num_segments=G)
    counts = jax.ops.segment_sum(jnp.ones((N,), dtype=x2.dtype), batch, num_segments=G)
    xout = sums / jnp.maximum(counts, 1.0)[:, None]
    return xout

if __name__ == "__main__":
    import jax
    _d = setup_inputs()
    print(jax.jit(kernel)(*tuple(_d.values())))

</pallas_src>

<mosaic_0001>
#map = affine_map<(d0, d1) -> (0, 0)>
module attributes {stable_mosaic.version = 14 : i64} {
  func.func @k(%arg0: i32, %arg1: i32, %arg2: memref<20480x64xf32, #tpu.memory_space<hbm>>, %arg3: memref<5120x128xi32, #tpu.memory_space<hbm>>, %arg4: memref<2560x128xi32, #tpu.memory_space<hbm>>, %arg5: memref<10240x64xf32, #tpu.memory_space<hbm>>, %arg6: memref<20480x64xf32, #tpu.memory_space<hbm>>, %arg7: memref<160x128xi32, #tpu.memory_space<vmem>>, %arg8: memref<160x128xi32, #tpu.memory_space<vmem>>, %arg9: memref<128x64xf32, #tpu.memory_space<vmem>>, %arg10: memref<128x64xf32, #tpu.memory_space<vmem>>, %arg11: memref<128x64xf32, #tpu.memory_space<vmem>>, %arg12: memref<128x64xf32, #tpu.memory_space<vmem>>, %arg13: memref<!tpu.dma_semaphore, #tpu.memory_space<semaphore_mem>>, %arg14: memref<!tpu.dma_semaphore, #tpu.memory_space<semaphore_mem>>, %arg15: memref<10240x64xf32, #tpu.memory_space<vmem_shared>>, %arg16: memref<!tpu.dma_semaphore, #tpu.memory_space<semaphore_mem>>, %arg17: memref<!tpu.dma_semaphore, #tpu.memory_space<semaphore_mem>>) attributes {dimension_semantics = [#tpu.dimension_semantics<core_parallel>, #tpu.dimension_semantics<subcore_parallel>], iteration_bounds = array<i64: 2, 16>, scalar_prefetch = 0 : i64, scratch_operands = 11 : i64, tpu.core_type = #tpu.core_type<sc_vector_subcore>, window_params = [{transform_indices = #map}, {transform_indices = #map}, {transform_indices = #map}, {transform_indices = #map}, {transform_indices = #map}]} {
    %mul3A = arith.constant 2560 : i32
    %mul3A_0 = arith.muli %arg0, %mul3A : i32
    %mul3A_1 = arith.constant 160 : i32
    %mul3A_2 = arith.muli %arg1, %mul3A_1 : i32
    %add3A = arith.addi %mul3A_0, %mul3A_2 : i32
    "tpu.region"() ({
      %run_scoped3A = tpu.sem_alloc : memref<!tpu.dma_semaphore, #tpu.memory_space<semaphore_mem>>
      %dma_start3A_50 = arith.constant 0 : i32
      %dma_start3A_51 = tpu.memref_slice %arg3[%add3A, %dma_start3A_50] : memref<5120x128xi32, #tpu.memory_space<hbm>> -> memref<160x128xi32, #tpu.memory_space<hbm>>
      %dma_start3A_52 = arith.constant 0 : i32
      %dma_start3A_53 = tpu.memref_slice %arg3[%add3A, %dma_start3A_52] : memref<5120x128xi32, #tpu.memory_space<hbm>> -> memref<160x128xi32, #tpu.memory_space<hbm>>
      tpu.enqueue_dma source(%dma_start3A_53 : memref<160x128xi32, #tpu.memory_space<hbm>>) target(%arg7 : memref<160x128xi32, #tpu.memory_space<vmem>>) target_semaphore(%run_scoped3A : memref<!tpu.dma_semaphore, #tpu.memory_space<semaphore_mem>>)
      %dma_wait3A = arith.constant 0 : i32
      %dma_wait3A_54 = tpu.memref_slice %arg3[%add3A, %dma_wait3A] : memref<5120x128xi32, #tpu.memory_space<hbm>> -> memref<160x128xi32, #tpu.memory_space<hbm>>
      %dma_wait3A_55 = arith.constant 0 : i32
      %dma_wait3A_56 = tpu.memref_slice %arg3[%add3A, %dma_wait3A_55] : memref<5120x128xi32, #tpu.memory_space<hbm>> -> memref<160x128xi32, #tpu.memory_space<hbm>>
      tpu.wait_dma2 semaphore(%run_scoped3A : memref<!tpu.dma_semaphore, #tpu.memory_space<semaphore_mem>>) src(%dma_wait3A_56 : memref<160x128xi32, #tpu.memory_space<hbm>>) dst(%arg7 : memref<160x128xi32, #tpu.memory_space<vmem>>)
      tpu.yield
    }) : () -> ()
    %mul3A_3 = arith.constant 160 : i32
    %mul3A_4 = arith.muli %arg1, %mul3A_3 : i32
    "tpu.region"() ({
      %run_scoped3A = tpu.sem_alloc : memref<!tpu.dma_semaphore, #tpu.memory_space<semaphore_mem>>
      %dma_start3A_50 = arith.constant 0 : i32
      %dma_start3A_51 = tpu.memref_slice %arg4[%mul3A_4, %dma_start3A_50] : memref<2560x128xi32, #tpu.memory_space<hbm>> -> memref<160x128xi32, #tpu.memory_space<hbm>>
      %dma_start3A_52 = arith.constant 0 : i32
      %dma_start3A_53 = tpu.memref_slice %arg4[%mul3A_4, %dma_start3A_52] : memref<2560x128xi32, #tpu.memory_space<hbm>> -> memref<160x128xi32, #tpu.memory_space<hbm>>
      tpu.enqueue_dma source(%dma_start3A_53 : memref<160x128xi32, #tpu.memory_space<hbm>>) target(%arg8 : memref<160x128xi32, #tpu.memory_space<vmem>>) target_semaphore(%run_scoped3A : memref<!tpu.dma_semaphore, #tpu.memory_space<semaphore_mem>>)
      %dma_wait3A = arith.constant 0 : i32
      %dma_wait3A_54 = tpu.memref_slice %arg4[%mul3A_4, %dma_wait3A] : memref<2560x128xi32, #tpu.memory_space<hbm>> -> memref<160x128xi32, #tpu.memory_space<hbm>>
      %dma_wait3A_55 = arith.constant 0 : i32
      %dma_wait3A_56 = tpu.memref_slice %arg4[%mul3A_4, %dma_wait3A_55] : memref<2560x128xi32, #tpu.memory_space<hbm>> -> memref<160x128xi32, #tpu.memory_space<hbm>>
      tpu.wait_dma2 semaphore(%run_scoped3A : memref<!tpu.dma_semaphore, #tpu.memory_space<semaphore_mem>>) src(%dma_wait3A_56 : memref<160x128xi32, #tpu.memory_space<hbm>>) dst(%arg8 : memref<160x128xi32, #tpu.memory_space<vmem>>)
      tpu.yield
    }) : () -> ()
    %mul3A_5 = arith.constant 640 : i32
    %mul3A_6 = arith.muli %arg1, %mul3A_5 : i32
    %mul3A_7 = arith.constant 640 : i32
    %mul3A_8 = arith.muli %arg1, %mul3A_7 : i32
    "tpu.region"() ({
      %run_scoped3A = tpu.sem_alloc : memref<!tpu.dma_semaphore, #tpu.memory_space<semaphore_mem>>
      %dma_start3A_50 = arith.constant 0 : i32
      %dma_start3A_51 = tpu.memref_slice %arg15[%mul3A_8, %dma_start3A_50] : memref<10240x64xf32, #tpu.memory_space<vmem_shared>> -> memref<640x64xf32, #tpu.memory_space<vmem_shared>>
      %dma_start3A_52 = arith.constant 0 : i32
      %dma_start3A_53 = tpu.memref_slice %arg5[%mul3A_6, %dma_start3A_52] : memref<10240x64xf32, #tpu.memory_space<hbm>> -> memref<640x64xf32, #tpu.memory_space<hbm>>
      tpu.enqueue_dma source(%dma_start3A_53 : memref<640x64xf32, #tpu.memory_space<hbm>>) target(%dma_start3A_51 : memref<640x64xf32, #tpu.memory_space<vmem_shared>>) target_semaphore(%run_scoped3A : memref<!tpu.dma_semaphore, #tpu.memory_space<semaphore_mem>>)
      %dma_wait3A = arith.constant 0 : i32
      %dma_wait3A_54 = tpu.memref_slice %arg15[%mul3A_8, %dma_wait3A] : memref<10240x64xf32, #tpu.memory_space<vmem_shared>> -> memref<640x64xf32, #tpu.memory_space<vmem_shared>>
      %dma_wait3A_55 = arith.constant 0 : i32
      %dma_wait3A_56 = tpu.memref_slice %arg5[%mul3A_6, %dma_wait3A_55] : memref<10240x64xf32, #tpu.memory_space<hbm>> -> memref<640x64xf32, #tpu.memory_space<hbm>>
      tpu.wait_dma2 semaphore(%run_scoped3A : memref<!tpu.dma_semaphore, #tpu.memory_space<semaphore_mem>>) src(%dma_wait3A_56 : memref<640x64xf32, #tpu.memory_space<hbm>>) dst(%dma_wait3A_54 : memref<640x64xf32, #tpu.memory_space<vmem_shared>>)
      tpu.yield
    }) : () -> ()
    %barrier3A = arith.constant 0 : index
    tpu.barrier barrier_id(%barrier3A)
    %dma_start3A = arith.constant 0 : i32
    %dma_start3A_9 = arith.constant 0 : i32
    %dma_start3A_10 = tpu.memref_slice %arg7[%dma_start3A, %dma_start3A_9] : memref<160x128xi32, #tpu.memory_space<vmem>> -> memref<1x128xi32, #tpu.memory_space<vmem>>
    %dma_start3A_11 = tpu.memref_squeeze %dma_start3A_10 : memref<1x128xi32, #tpu.memory_space<vmem>> -> memref<128xi32, #tpu.memory_space<vmem>>
    %dma_start3A_12 = arith.constant 0 : i32
    %dma_start3A_13 = arith.constant 0 : i32
    %dma_start3A_14 = tpu.memref_slice %arg2[%dma_start3A_12, %dma_start3A_13] : memref<20480x64xf32, #tpu.memory_space<hbm>> -> memref<20480x64xf32, #tpu.memory_space<hbm>>
    tpu.enqueue_indirect_dma source(%dma_start3A_14 : memref<20480x64xf32, #tpu.memory_space<hbm>>) target(%arg9 : memref<128x64xf32, #tpu.memory_space<vmem>>) offsets(%dma_start3A_11 : memref<128xi32, #tpu.memory_space<vmem>>) semaphore(%arg16 : memref<!tpu.dma_semaphore, #tpu.memory_space<semaphore_mem>>)
    %dma_start3A_15 = arith.constant 1 : i32
    %dma_start3A_16 = arith.constant 0 : i32
    %dma_start3A_17 = tpu.memref_slice %arg7[%dma_start3A_15, %dma_start3A_16] : memref<160x128xi32, #tpu.memory_space<vmem>> -> memref<1x128xi32, #tpu.memory_space<vmem>>
    %dma_start3A_18 = tpu.memref_squeeze %dma_start3A_17 : memref<1x128xi32, #tpu.memory_space<vmem>> -> memref<128xi32, #tpu.memory_space<vmem>>
    %dma_start3A_19 = arith.constant 0 : i32
    %dma_start3A_20 = arith.constant 0 : i32
    %dma_start3A_21 = tpu.memref_slice %arg2[%dma_start3A_19, %dma_start3A_20] : memref<20480x64xf32, #tpu.memory_space<hbm>> -> memref<20480x64xf32, #tpu.memory_space<hbm>>
    tpu.enqueue_indirect_dma source(%dma_start3A_21 : memref<20480x64xf32, #tpu.memory_space<hbm>>) target(%arg10 : memref<128x64xf32, #tpu.memory_space<vmem>>) offsets(%dma_start3A_18 : memref<128xi32, #tpu.memory_space<vmem>>) semaphore(%arg17 : memref<!tpu.dma_semaphore, #tpu.memory_space<semaphore_mem>>)
    %dma_start3A_22 = arith.constant 2 : i32
    %dma_start3A_23 = arith.constant 0 : i32
    %dma_start3A_24 = tpu.memref_slice %arg7[%dma_start3A_22, %dma_start3A_23] : memref<160x128xi32, #tpu.memory_space<vmem>> -> memref<1x128xi32, #tpu.memory_space<vmem>>
    %dma_start3A_25 = tpu.memref_squeeze %dma_start3A_24 : memref<1x128xi32, #tpu.memory_space<vmem>> -> memref<128xi32, #tpu.memory_space<vmem>>
    %dma_start3A_26 = arith.constant 0 : i32
    %dma_start3A_27 = arith.constant 0 : i32
    %dma_start3A_28 = tpu.memref_slice %arg2[%dma_start3A_26, %dma_start3A_27] : memref<20480x64xf32, #tpu.memory_space<hbm>> -> memref<20480x64xf32, #tpu.memory_space<hbm>>
    tpu.enqueue_indirect_dma source(%dma_start3A_28 : memref<20480x64xf32, #tpu.memory_space<hbm>>) target(%arg11 : memref<128x64xf32, #tpu.memory_space<vmem>>) offsets(%dma_start3A_25 : memref<128xi32, #tpu.memory_space<vmem>>) semaphore(%arg13 : memref<!tpu.dma_semaphore, #tpu.memory_space<semaphore_mem>>)
    %dma_start3A_29 = arith.constant 3 : i32
    %dma_start3A_30 = arith.constant 0 : i32
    %dma_start3A_31 = tpu.memref_slice %arg7[%dma_start3A_29, %dma_start3A_30] : memref<160x128xi32, #tpu.memory_space<vmem>> -> memref<1x128xi32, #tpu.memory_space<vmem>>
    %dma_start3A_32 = tpu.memref_squeeze %dma_start3A_31 : memref<1x128xi32, #tpu.memory_space<vmem>> -> memref<128xi32, #tpu.memory_space<vmem>>
    %dma_start3A_33 = arith.constant 0 : i32
    %dma_start3A_34 = arith.constant 0 : i32
    %dma_start3A_35 = tpu.memref_slice %arg2[%dma_start3A_33, %dma_start3A_34] : memref<20480x64xf32, #tpu.memory_space<hbm>> -> memref<20480x64xf32, #tpu.memory_space<hbm>>
    tpu.enqueue_indirect_dma source(%dma_start3A_35 : memref<20480x64xf32, #tpu.memory_space<hbm>>) target(%arg12 : memref<128x64xf32, #tpu.memory_space<vmem>>) offsets(%dma_start3A_32 : memref<128xi32, #tpu.memory_space<vmem>>) semaphore(%arg14 : memref<!tpu.dma_semaphore, #tpu.memory_space<semaphore_mem>>)
    %scan3A = arith.constant 0 : i32
    %scan3A_36 = arith.constant 0 : i32
    %scan3A_37 = arith.constant 40 : i32
    %scan3A_38 = arith.addi %scan3A_36, %scan3A_37 : i32
    %scan3A_39 = arith.constant 1 : i32
    %scan3A_40 = scf.for %scan3A_50 = %scan3A_36 to %scan3A_38 step %scan3A_39 iter_args(%scan3A_51 = %scan3A) -> (i32)  : i32 {
      %mul3A_52 = arith.constant 4 : i32
      %mul3A_53 = arith.muli %scan3A_50, %mul3A_52 : i32
      %add3A_54 = arith.constant 0 : i32
      %add3A_55 = arith.addi %mul3A_53, %add3A_54 : i32
      %dma_wait3A = arith.constant 0 : i32
      %dma_wait3A_56 = tpu.memref_slice %arg7[%add3A_55, %dma_wait3A] : memref<160x128xi32, #tpu.memory_space<vmem>> -> memref<1x128xi32, #tpu.memory_space<vmem>>
      %dma_wait3A_57 = tpu.memref_squeeze %dma_wait3A_56 : memref<1x128xi32, #tpu.memory_space<vmem>> -> memref<128xi32, #tpu.memory_space<vmem>>
      %dma_wait3A_58 = arith.constant 0 : i32
      %dma_wait3A_59 = arith.constant 0 : i32
      %dma_wait3A_60 = tpu.memref_slice %arg2[%dma_wait3A_58, %dma_wait3A_59] : memref<20480x64xf32, #tpu.memory_space<hbm>> -> memref<20480x64xf32, #tpu.memory_space<hbm>>
      tpu.wait_indirect_dma semaphore(%arg16 : memref<!tpu.dma_semaphore, #tpu.memory_space<semaphore_mem>>) src(%dma_wait3A_60 : memref<20480x64xf32, #tpu.memory_space<hbm>>) dst(%arg9 : memref<128x64xf32, #tpu.memory_space<vmem>>)
      "tpu.region"() ({
        %run_scoped3A = tpu.sem_alloc : memref<!tpu.dma_semaphore, #tpu.memory_space<semaphore_mem>>
        %dma_start3A_111 = arith.constant 0 : i32
        %dma_start3A_112 = tpu.memref_slice %arg8[%add3A_55, %dma_start3A_111] : memref<160x128xi32, #tpu.memory_space<vmem>> -> memref<1x128xi32, #tpu.memory_space<vmem>>
        %dma_start3A_113 = tpu.memref_squeeze %dma_start3A_112 : memref<1x128xi32, #tpu.memory_space<vmem>> -> memref<128xi32, #tpu.memory_space<vmem>>
        %dma_start3A_114 = arith.constant 0 : i32
        %dma_start3A_115 = arith.constant 0 : i32
        %dma_start3A_116 = tpu.memref_slice %arg15[%dma_start3A_114, %dma_start3A_115] : memref<10240x64xf32, #tpu.memory_space<vmem_shared>> -> memref<10240x64xf32, #tpu.memory_space<vmem_shared>>
        tpu.enqueue_indirect_dma source(%arg9 : memref<128x64xf32, #tpu.memory_space<vmem>>) target(%dma_start3A_116 : memref<10240x64xf32, #tpu.memory_space<vmem_shared>>) offsets(%dma_start3A_113 : memref<128xi32, #tpu.memory_space<vmem>>) semaphore(%run_scoped3A : memref<!tpu.dma_semaphore, #tpu.memory_space<semaphore_mem>>) {add = true}
        %dma_wait3A_117 = arith.constant 0 : i32
        %dma_wait3A_118 = tpu.memref_slice %arg8[%add3A_55, %dma_wait3A_117] : memref<160x128xi32, #tpu.memory_space<vmem>> -> memref<1x128xi32, #tpu.memory_space<vmem>>
        %dma_wait3A_119 = tpu.memref_squeeze %dma_wait3A_118 : memref<1x128xi32, #tpu.memory_space<vmem>> -> memref<128xi32, #tpu.memory_space<vmem>>
        %dma_wait3A_120 = arith.constant 0 : i32
        %dma_wait3A_121 = arith.constant 0 : i32
        %dma_wait3A_122 = tpu.memref_slice %arg15[%dma_wait3A_120, %dma_wait3A_121] : memref<10240x64xf32, #tpu.memory_space<vmem_shared>> -> memref<10240x64xf32, #tpu.memory_space<vmem_shared>>
        tpu.wait_indirect_dma semaphore(%run_scoped3A : memref<!tpu.dma_semaphore, #tpu.memory_space<semaphore_mem>>) src(%arg9 : memref<128x64xf32, #tpu.memory_space<vmem>>) dst(%dma_wait3A_122 : memref<10240x64xf32, #tpu.memory_space<vmem_shared>>)
        tpu.yield
      }) : () -> ()
      %add3A_61 = arith.constant 4 : i32
      %add3A_62 = arith.addi %add3A_55, %add3A_61 : i32
      %lt3A = arith.constant 160 : i32
      %lt3A_63 = arith.cmpi slt, %add3A_62, %lt3A : i32
      %convert_element_type3A = arith.extui %lt3A_63 : i1 to i32
      %cond3A = arith.constant 0 : i32
      %cond3A_64 = arith.cmpi ne, %convert_element_type3A, %cond3A : i32
      scf.if %cond3A_64 {
        %add3A_111 = arith.constant 4 : i32
        %add3A_112 = arith.addi %add3A_55, %add3A_111 : i32
        %dma_start3A_113 = arith.constant 0 : i32
        %dma_start3A_114 = tpu.memref_slice %arg7[%add3A_112, %dma_start3A_113] : memref<160x128xi32, #tpu.memory_space<vmem>> -> memref<1x128xi32, #tpu.memory_space<vmem>>
        %dma_start3A_115 = tpu.memref_squeeze %dma_start3A_114 : memref<1x128xi32, #tpu.memory_space<vmem>> -> memref<128xi32, #tpu.memory_space<vmem>>
        %dma_start3A_116 = arith.constant 0 : i32
        %dma_start3A_117 = arith.constant 0 : i32
        %dma_start3A_118 = tpu.memref_slice %arg2[%dma_start3A_116, %dma_start3A_117] : memref<20480x64xf32, #tpu.memory_space<hbm>> -> memref<20480x64xf32, #tpu.memory_space<hbm>>
        tpu.enqueue_indirect_dma source(%dma_start3A_118 : memref<20480x64xf32, #tpu.memory_space<hbm>>) target(%arg9 : memref<128x64xf32, #tpu.memory_space<vmem>>) offsets(%dma_start3A_115 : memref<128xi32, #tpu.memory_space<vmem>>) semaphore(%arg16 : memref<!tpu.dma_semaphore, #tpu.memory_space<semaphore_mem>>)
      } else {
      }
      %add3A_65 = arith.constant 1 : i32
      %add3A_66 = arith.addi %mul3A_53, %add3A_65 : i32
      %dma_wait3A_67 = arith.constant 0 : i32
      %dma_wait3A_68 = tpu.memref_slice %arg7[%add3A_66, %dma_wait3A_67] : memref<160x128xi32, #tpu.memory_space<vmem>> -> memref<1x128xi32, #tpu.memory_space<vmem>>
      %dma_wait3A_69 = tpu.memref_squeeze %dma_wait3A_68 : memref<1x128xi32, #tpu.memory_space<vmem>> -> memref<128xi32, #tpu.memory_space<vmem>>
      %dma_wait3A_70 = arith.constant 0 : i32
      %dma_wait3A_71 = arith.constant 0 : i32
      %dma_wait3A_72 = tpu.memref_slice %arg2[%dma_wait3A_70, %dma_wait3A_71] : memref<20480x64xf32, #tpu.memory_space<hbm>> -> memref<20480x64xf32, #tpu.memory_space<hbm>>
      tpu.wait_indirect_dma semaphore(%arg17 : memref<!tpu.dma_semaphore, #tpu.memory_space<semaphore_mem>>) src(%dma_wait3A_72 : memref<20480x64xf32, #tpu.memory_space<hbm>>) dst(%arg10 : memref<128x64xf32, #tpu.memory_space<vmem>>)
      "tpu.region"() ({
        %run_scoped3A = tpu.sem_alloc : memref<!tpu.dma_semaphore, #tpu.memory_space<semaphore_mem>>
        %dma_start3A_111 = arith.constant 0 : i32
        %dma_start3A_112 = tpu.memref_slice %arg8[%add3A_66, %dma_start3A_111] : memref<160x128xi32, #tpu.memory_space<vmem>> -> memref<1x128xi32, #tpu.memory_space<vmem>>
        %dma_start3A_113 = tpu.memref_squeeze %dma_start3A_112 : memref<1x128xi32, #tpu.memory_space<vmem>> -> memref<128xi32, #tpu.memory_space<vmem>>
        %dma_start3A_114 = arith.constant 0 : i32
        %dma_start3A_115 = arith.constant 0 : i32
        %dma_start3A_116 = tpu.memref_slice %arg15[%dma_start3A_114, %dma_start3A_115] : memref<10240x64xf32, #tpu.memory_space<vmem_shared>> -> memref<10240x64xf32, #tpu.memory_space<vmem_shared>>
        tpu.enqueue_indirect_dma source(%arg10 : memref<128x64xf32, #tpu.memory_space<vmem>>) target(%dma_start3A_116 : memref<10240x64xf32, #tpu.memory_space<vmem_shared>>) offsets(%dma_start3A_113 : memref<128xi32, #tpu.memory_space<vmem>>) semaphore(%run_scoped3A : memref<!tpu.dma_semaphore, #tpu.memory_space<semaphore_mem>>) {add = true}
        %dma_wait3A_117 = arith.constant 0 : i32
        %dma_wait3A_118 = tpu.memref_slice %arg8[%add3A_66, %dma_wait3A_117] : memref<160x128xi32, #tpu.memory_space<vmem>> -> memref<1x128xi32, #tpu.memory_space<vmem>>
        %dma_wait3A_119 = tpu.memref_squeeze %dma_wait3A_118 : memref<1x128xi32, #tpu.memory_space<vmem>> -> memref<128xi32, #tpu.memory_space<vmem>>
        %dma_wait3A_120 = arith.constant 0 : i32
        %dma_wait3A_121 = arith.constant 0 : i32
        %dma_wait3A_122 = tpu.memref_slice %arg15[%dma_wait3A_120, %dma_wait3A_121] : memref<10240x64xf32, #tpu.memory_space<vmem_shared>> -> memref<10240x64xf32, #tpu.memory_space<vmem_shared>>
        tpu.wait_indirect_dma semaphore(%run_scoped3A : memref<!tpu.dma_semaphore, #tpu.memory_space<semaphore_mem>>) src(%arg10 : memref<128x64xf32, #tpu.memory_space<vmem>>) dst(%dma_wait3A_122 : memref<10240x64xf32, #tpu.memory_space<vmem_shared>>)
        tpu.yield
      }) : () -> ()
      %add3A_73 = arith.constant 4 : i32
      %add3A_74 = arith.addi %add3A_66, %add3A_73 : i32
      %lt3A_75 = arith.constant 160 : i32
      %lt3A_76 = arith.cmpi slt, %add3A_74, %lt3A_75 : i32
      %convert_element_type3A_77 = arith.extui %lt3A_76 : i1 to i32
      %cond3A_78 = arith.constant 0 : i32
      %cond3A_79 = arith.cmpi ne, %convert_element_type3A_77, %cond3A_78 : i32
      scf.if %cond3A_79 {
        %add3A_111 = arith.constant 4 : i32
        %add3A_112 = arith.addi %add3A_66, %add3A_111 : i32
        %dma_start3A_113 = arith.constant 0 : i32
        %dma_start3A_114 = tpu.memref_slice %arg7[%add3A_112, %dma_start3A_113] : memref<160x128xi32, #tpu.memory_space<vmem>> -> memref<1x128xi32, #tpu.memory_space<vmem>>
        %dma_start3A_115 = tpu.memref_squeeze %dma_start3A_114 : memref<1x128xi32, #tpu.memory_space<vmem>> -> memref<128xi32, #tpu.memory_space<vmem>>
        %dma_start3A_116 = arith.constant 0 : i32
        %dma_start3A_117 = arith.constant 0 : i32
        %dma_start3A_118 = tpu.memref_slice %arg2[%dma_start3A_116, %dma_start3A_117] : memref<20480x64xf32, #tpu.memory_space<hbm>> -> memref<20480x64xf32, #tpu.memory_space<hbm>>
        tpu.enqueue_indirect_dma source(%dma_start3A_118 : memref<20480x64xf32, #tpu.memory_space<hbm>>) target(%arg10 : memref<128x64xf32, #tpu.memory_space<vmem>>) offsets(%dma_start3A_115 : memref<128xi32, #tpu.memory_space<vmem>>) semaphore(%arg17 : memref<!tpu.dma_semaphore, #tpu.memory_space<semaphore_mem>>)
      } else {
      }
      %add3A_80 = arith.constant 2 : i32
      %add3A_81 = arith.addi %mul3A_53, %add3A_80 : i32
      %dma_wait3A_82 = arith.constant 0 : i32
      %dma_wait3A_83 = tpu.memref_slice %arg7[%add3A_81, %dma_wait3A_82] : memref<160x128xi32, #tpu.memory_space<vmem>> -> memref<1x128xi32, #tpu.memory_space<vmem>>
      %dma_wait3A_84 = tpu.memref_squeeze %dma_wait3A_83 : memref<1x128xi32, #tpu.memory_space<vmem>> -> memref<128xi32, #tpu.memory_space<vmem>>
      %dma_wait3A_85 = arith.constant 0 : i32
      %dma_wait3A_86 = arith.constant 0 : i32
      %dma_wait3A_87 = tpu.memref_slice %arg2[%dma_wait3A_85, %dma_wait3A_86] : memref<20480x64xf32, #tpu.memory_space<hbm>> -> memref<20480x64xf32, #tpu.memory_space<hbm>>
      tpu.wait_indirect_dma semaphore(%arg13 : memref<!tpu.dma_semaphore, #tpu.memory_space<semaphore_mem>>) src(%dma_wait3A_87 : memref<20480x64xf32, #tpu.memory_space<hbm>>) dst(%arg11 : memref<128x64xf32, #tpu.memory_space<vmem>>)
      "tpu.region"() ({
        %run_scoped3A = tpu.sem_alloc : memref<!tpu.dma_semaphore, #tpu.memory_space<semaphore_mem>>
        %dma_start3A_111 = arith.constant 0 : i32
        %dma_start3A_112 = tpu.memref_slice %arg8[%add3A_81, %dma_start3A_111] : memref<160x128xi32, #tpu.memory_space<vmem>> -> memref<1x128xi32, #tpu.memory_space<vmem>>
        %dma_start3A_113 = tpu.memref_squeeze %dma_start3A_112 : memref<1x128xi32, #tpu.memory_space<vmem>> -> memref<128xi32, #tpu.memory_space<vmem>>
        %dma_start3A_114 = arith.constant 0 : i32
        %dma_start3A_115 = arith.constant 0 : i32
        %dma_start3A_116 = tpu.memref_slice %arg15[%dma_start3A_114, %dma_start3A_115] : memref<10240x64xf32, #tpu.memory_space<vmem_shared>> -> memref<10240x64xf32, #tpu.memory_space<vmem_shared>>
        tpu.enqueue_indirect_dma source(%arg11 : memref<128x64xf32, #tpu.memory_space<vmem>>) target(%dma_start3A_116 : memref<10240x64xf32, #tpu.memory_space<vmem_shared>>) offsets(%dma_start3A_113 : memref<128xi32, #tpu.memory_space<vmem>>) semaphore(%run_scoped3A : memref<!tpu.dma_semaphore, #tpu.memory_space<semaphore_mem>>) {add = true}
        %dma_wait3A_117 = arith.constant 0 : i32
        %dma_wait3A_118 = tpu.memref_slice %arg8[%add3A_81, %dma_wait3A_117] : memref<160x128xi32, #tpu.memory_space<vmem>> -> memref<1x128xi32, #tpu.memory_space<vmem>>
        %dma_wait3A_119 = tpu.memref_squeeze %dma_wait3A_118 : memref<1x128xi32, #tpu.memory_space<vmem>> -> memref<128xi32, #tpu.memory_space<vmem>>
        %dma_wait3A_120 = arith.constant 0 : i32
        %dma_wait3A_121 = arith.constant 0 : i32
        %dma_wait3A_122 = tpu.memref_slice %arg15[%dma_wait3A_120, %dma_wait3A_121] : memref<10240x64xf32, #tpu.memory_space<vmem_shared>> -> memref<10240x64xf32, #tpu.memory_space<vmem_shared>>
        tpu.wait_indirect_dma semaphore(%run_scoped3A : memref<!tpu.dma_semaphore, #tpu.memory_space<semaphore_mem>>) src(%arg11 : memref<128x64xf32, #tpu.memory_space<vmem>>) dst(%dma_wait3A_122 : memref<10240x64xf32, #tpu.memory_space<vmem_shared>>)
        tpu.yield
      }) : () -> ()
      %add3A_88 = arith.constant 4 : i32
      %add3A_89 = arith.addi %add3A_81, %add3A_88 : i32
      %lt3A_90 = arith.constant 160 : i32
      %lt3A_91 = arith.cmpi slt, %add3A_89, %lt3A_90 : i32
      %convert_element_type3A_92 = arith.extui %lt3A_91 : i1 to i32
      %cond3A_93 = arith.constant 0 : i32
      %cond3A_94 = arith.cmpi ne, %convert_element_type3A_92, %cond3A_93 : i32
      scf.if %cond3A_94 {
        %add3A_111 = arith.constant 4 : i32
        %add3A_112 = arith.addi %add3A_81, %add3A_111 : i32
        %dma_start3A_113 = arith.constant 0 : i32
        %dma_start3A_114 = tpu.memref_slice %arg7[%add3A_112, %dma_start3A_113] : memref<160x128xi32, #tpu.memory_space<vmem>> -> memref<1x128xi32, #tpu.memory_space<vmem>>
        %dma_start3A_115 = tpu.memref_squeeze %dma_start3A_114 : memref<1x128xi32, #tpu.memory_space<vmem>> -> memref<128xi32, #tpu.memory_space<vmem>>
        %dma_start3A_116 = arith.constant 0 : i32
        %dma_start3A_117 = arith.constant 0 : i32
        %dma_start3A_118 = tpu.memref_slice %arg2[%dma_start3A_116, %dma_start3A_117] : memref<20480x64xf32, #tpu.memory_space<hbm>> -> memref<20480x64xf32, #tpu.memory_space<hbm>>
        tpu.enqueue_indirect_dma source(%dma_start3A_118 : memref<20480x64xf32, #tpu.memory_space<hbm>>) target(%arg11 : memref<128x64xf32, #tpu.memory_space<vmem>>) offsets(%dma_start3A_115 : memref<128xi32, #tpu.memory_space<vmem>>) semaphore(%arg13 : memref<!tpu.dma_semaphore, #tpu.memory_space<semaphore_mem>>)
      } else {
      }
      %add3A_95 = arith.constant 3 : i32
      %add3A_96 = arith.addi %mul3A_53, %add3A_95 : i32
      %dma_wait3A_97 = arith.constant 0 : i32
      %dma_wait3A_98 = tpu.memref_slice %arg7[%add3A_96, %dma_wait3A_97] : memref<160x128xi32, #tpu.memory_space<vmem>> -> memref<1x128xi32, #tpu.memory_space<vmem>>
      %dma_wait3A_99 = tpu.memref_squeeze %dma_wait3A_98 : memref<1x128xi32, #tpu.memory_space<vmem>> -> memref<128xi32, #tpu.memory_space<vmem>>
      %dma_wait3A_100 = arith.constant 0 : i32
      %dma_wait3A_101 = arith.constant 0 : i32
      %dma_wait3A_102 = tpu.memref_slice %arg2[%dma_wait3A_100, %dma_wait3A_101] : memref<20480x64xf32, #tpu.memory_space<hbm>> -> memref<20480x64xf32, #tpu.memory_space<hbm>>
      tpu.wait_indirect_dma semaphore(%arg14 : memref<!tpu.dma_semaphore, #tpu.memory_space<semaphore_mem>>) src(%dma_wait3A_102 : memref<20480x64xf32, #tpu.memory_space<hbm>>) dst(%arg12 : memref<128x64xf32, #tpu.memory_space<vmem>>)
      "tpu.region"() ({
        %run_scoped3A = tpu.sem_alloc : memref<!tpu.dma_semaphore, #tpu.memory_space<semaphore_mem>>
        %dma_start3A_111 = arith.constant 0 : i32
        %dma_start3A_112 = tpu.memref_slice %arg8[%add3A_96, %dma_start3A_111] : memref<160x128xi32, #tpu.memory_space<vmem>> -> memref<1x128xi32, #tpu.memory_space<vmem>>
        %dma_start3A_113 = tpu.memref_squeeze %dma_start3A_112 : memref<1x128xi32, #tpu.memory_space<vmem>> -> memref<128xi32, #tpu.memory_space<vmem>>
        %dma_start3A_114 = arith.constant 0 : i32
        %dma_start3A_115 = arith.constant 0 : i32
        %dma_start3A_116 = tpu.memref_slice %arg15[%dma_start3A_114, %dma_start3A_115] : memref<10240x64xf32, #tpu.memory_space<vmem_shared>> -> memref<10240x64xf32, #tpu.memory_space<vmem_shared>>
        tpu.enqueue_indirect_dma source(%arg12 : memref<128x64xf32, #tpu.memory_space<vmem>>) target(%dma_start3A_116 : memref<10240x64xf32, #tpu.memory_space<vmem_shared>>) offsets(%dma_start3A_113 : memref<128xi32, #tpu.memory_space<vmem>>) semaphore(%run_scoped3A : memref<!tpu.dma_semaphore, #tpu.memory_space<semaphore_mem>>) {add = true}
        %dma_wait3A_117 = arith.constant 0 : i32
        %dma_wait3A_118 = tpu.memref_slice %arg8[%add3A_96, %dma_wait3A_117] : memref<160x128xi32, #tpu.memory_space<vmem>> -> memref<1x128xi32, #tpu.memory_space<vmem>>
        %dma_wait3A_119 = tpu.memref_squeeze %dma_wait3A_118 : memref<1x128xi32, #tpu.memory_space<vmem>> -> memref<128xi32, #tpu.memory_space<vmem>>
        %dma_wait3A_120 = arith.constant 0 : i32
        %dma_wait3A_121 = arith.constant 0 : i32
        %dma_wait3A_122 = tpu.memref_slice %arg15[%dma_wait3A_120, %dma_wait3A_121] : memref<10240x64xf32, #tpu.memory_space<vmem_shared>> -> memref<10240x64xf32, #tpu.memory_space<vmem_shared>>
        tpu.wait_indirect_dma semaphore(%run_scoped3A : memref<!tpu.dma_semaphore, #tpu.memory_space<semaphore_mem>>) src(%arg12 : memref<128x64xf32, #tpu.memory_space<vmem>>) dst(%dma_wait3A_122 : memref<10240x64xf32, #tpu.memory_space<vmem_shared>>)
        tpu.yield
      }) : () -> ()
      %add3A_103 = arith.constant 4 : i32
      %add3A_104 = arith.addi %add3A_96, %add3A_103 : i32
      %lt3A_105 = arith.constant 160 : i32
      %lt3A_106 = arith.cmpi slt, %add3A_104, %lt3A_105 : i32
      %convert_element_type3A_107 = arith.extui %lt3A_106 : i1 to i32
      %cond3A_108 = arith.constant 0 : i32
      %cond3A_109 = arith.cmpi ne, %convert_element_type3A_107, %cond3A_108 : i32
      scf.if %cond3A_109 {
        %add3A_111 = arith.constant 4 : i32
        %add3A_112 = arith.addi %add3A_96, %add3A_111 : i32
        %dma_start3A_113 = arith.constant 0 : i32
        %dma_start3A_114 = tpu.memref_slice %arg7[%add3A_112, %dma_start3A_113] : memref<160x128xi32, #tpu.memory_space<vmem>> -> memref<1x128xi32, #tpu.memory_space<vmem>>
        %dma_start3A_115 = tpu.memref_squeeze %dma_start3A_114 : memref<1x128xi32, #tpu.memory_space<vmem>> -> memref<128xi32, #tpu.memory_space<vmem>>
        %dma_start3A_116 = arith.constant 0 : i32
        %dma_start3A_117 = arith.constant 0 : i32
        %dma_start3A_118 = tpu.memref_slice %arg2[%dma_start3A_116, %dma_start3A_117] : memref<20480x64xf32, #tpu.memory_space<hbm>> -> memref<20480x64xf32, #tpu.memory_space<hbm>>
        tpu.enqueue_indirect_dma source(%dma_start3A_118 : memref<20480x64xf32, #tpu.memory_space<hbm>>) target(%arg12 : memref<128x64xf32, #tpu.memory_space<vmem>>) offsets(%dma_start3A_115 : memref<128xi32, #tpu.memory_space<vmem>>) semaphore(%arg14 : memref<!tpu.dma_semaphore, #tpu.memory_space<semaphore_mem>>)
      } else {
      }
      %scan3A_110 = arith.constant 0 : i32
      scf.yield %scan3A_110 : i32
    }
    %scan3A_41 = arith.constant 40 : i32
    %barrier3A_42 = arith.constant 0 : index
    tpu.barrier barrier_id(%barrier3A_42)
    %mul3A_43 = arith.constant 640 : i32
    %mul3A_44 = arith.muli %arg1, %mul3A_43 : i32
    %mul3A_45 = arith.constant 10240 : i32
    %mul3A_46 = arith.muli %arg0, %mul3A_45 : i32
    %mul3A_47 = arith.constant 640 : i32
    %mul3A_48 = arith.muli %arg1, %mul3A_47 : i32
    %add3A_49 = arith.addi %mul3A_46, %mul3A_48 : i32
    "tpu.region"() ({
      %run_scoped3A = tpu.sem_alloc : memref<!tpu.dma_semaphore, #tpu.memory_space<semaphore_mem>>
      %dma_start3A_50 = arith.constant 0 : i32
      %dma_start3A_51 = tpu.memref_slice %arg6[%add3A_49, %dma_start3A_50] : memref<20480x64xf32, #tpu.memory_space<hbm>> -> memref<640x64xf32, #tpu.memory_space<hbm>>
      %dma_start3A_52 = arith.constant 0 : i32
      %dma_start3A_53 = tpu.memref_slice %arg15[%mul3A_44, %dma_start3A_52] : memref<10240x64xf32, #tpu.memory_space<vmem_shared>> -> memref<640x64xf32, #tpu.memory_space<vmem_shared>>
      tpu.enqueue_dma source(%dma_start3A_53 : memref<640x64xf32, #tpu.memory_space<vmem_shared>>) target(%dma_start3A_51 : memref<640x64xf32, #tpu.memory_space<hbm>>) target_semaphore(%run_scoped3A : memref<!tpu.dma_semaphore, #tpu.memory_space<semaphore_mem>>)
      %dma_wait3A = arith.constant 0 : i32
      %dma_wait3A_54 = tpu.memref_slice %arg6[%add3A_49, %dma_wait3A] : memref<20480x64xf32, #tpu.memory_space<hbm>> -> memref<640x64xf32, #tpu.memory_space<hbm>>
      %dma_wait3A_55 = arith.constant 0 : i32
      %dma_wait3A_56 = tpu.memref_slice %arg15[%mul3A_44, %dma_wait3A_55] : memref<10240x64xf32, #tpu.memory_space<vmem_shared>> -> memref<640x64xf32, #tpu.memory_space<vmem_shared>>
      tpu.wait_dma2 semaphore(%run_scoped3A : memref<!tpu.dma_semaphore, #tpu.memory_space<semaphore_mem>>) src(%dma_wait3A_56 : memref<640x64xf32, #tpu.memory_space<vmem_shared>>) dst(%dma_wait3A_54 : memref<640x64xf32, #tpu.memory_space<hbm>>)
      tpu.yield
    }) : () -> ()
    return
  }
}

#map = affine_map<(d0, d1) -> (0, 0)>
module attributes {stable_mosaic.version = 14 : i64} {
  func.func @k(%arg0: i32, %arg1: i32, %arg2: memref<20480x64xf32, #tpu.memory_space<hbm>>, %arg3: memref<5120x128xi32, #tpu.memory_space<hbm>>, %arg4: memref<2560x128xi32, #tpu.memory_space<hbm>>, %arg5: memref<10240x64xf32, #tpu.memory_space<hbm>>, %arg6: memref<20480x64xf32, #tpu.memory_space<hbm>>, %arg7: memref<160x128xi32, #tpu.memory_space<vmem>>, %arg8: memref<160x128xi32, #tpu.memory_space<vmem>>, %arg9: memref<128x64xf32, #tpu.memory_space<vmem>>, %arg10: memref<128x64xf32, #tpu.memory_space<vmem>>, %arg11: memref<128x64xf32, #tpu.memory_space<vmem>>, %arg12: memref<128x64xf32, #tpu.memory_space<vmem>>, %arg13: memref<!tpu.dma_semaphore, #tpu.memory_space<semaphore_mem>>, %arg14: memref<!tpu.dma_semaphore, #tpu.memory_space<semaphore_mem>>, %arg15: memref<10240x64xf32, #tpu.memory_space<vmem_shared>>, %arg16: memref<!tpu.dma_semaphore, #tpu.memory_space<semaphore_mem>>, %arg17: memref<!tpu.dma_semaphore, #tpu.memory_space<semaphore_mem>>) attributes {dimension_semantics = [#tpu.dimension_semantics<core_parallel>, #tpu.dimension_semantics<subcore_parallel>], iteration_bounds = array<i64: 2, 16>, scalar_prefetch = 0 : i64, scratch_operands = 11 : i64, tpu.core_type = #tpu.core_type<sc_vector_subcore>, window_params = [{transform_indices = #map}, {transform_indices = #map}, {transform_indices = #map}, {transform_indices = #map}, {transform_indices = #map}]} {
    %mul3A = arith.constant 2560 : i32
    %mul3A_0 = arith.muli %arg0, %mul3A : i32
    %mul3A_1 = arith.constant 160 : i32
    %mul3A_2 = arith.muli %arg1, %mul3A_1 : i32
    %add3A = arith.addi %mul3A_0, %mul3A_2 : i32
    "tpu.region"() ({
      %run_scoped3A = tpu.sem_alloc : memref<!tpu.dma_semaphore, #tpu.memory_space<semaphore_mem>>
      %dma_start3A_50 = arith.constant 0 : i32
      %dma_start3A_51 = tpu.memref_slice %arg3[%add3A, %dma_start3A_50] : memref<5120x128xi32, #tpu.memory_space<hbm>> -> memref<160x128xi32, #tpu.memory_space<hbm>>
      %dma_start3A_52 = arith.constant 0 : i32
      %dma_start3A_53 = tpu.memref_slice %arg3[%add3A, %dma_start3A_52] : memref<5120x128xi32, #tpu.memory_space<hbm>> -> memref<160x128xi32, #tpu.memory_space<hbm>>
      tpu.enqueue_dma source(%dma_start3A_53 : memref<160x128xi32, #tpu.memory_space<hbm>>) target(%arg7 : memref<160x128xi32, #tpu.memory_space<vmem>>) target_semaphore(%run_scoped3A : memref<!tpu.dma_semaphore, #tpu.memory_space<semaphore_mem>>)
      %dma_wait3A = arith.constant 0 : i32
      %dma_wait3A_54 = tpu.memref_slice %arg3[%add3A, %dma_wait3A] : memref<5120x128xi32, #tpu.memory_space<hbm>> -> memref<160x128xi32, #tpu.memory_space<hbm>>
      %dma_wait3A_55 = arith.constant 0 : i32
      %dma_wait3A_56 = tpu.memref_slice %arg3[%add3A, %dma_wait3A_55] : memref<5120x128xi32, #tpu.memory_space<hbm>> -> memref<160x128xi32, #tpu.memory_space<hbm>>
      tpu.wait_dma2 semaphore(%run_scoped3A : memref<!tpu.dma_semaphore, #tpu.memory_space<semaphore_mem>>) src(%dma_wait3A_56 : memref<160x128xi32, #tpu.memory_space<hbm>>) dst(%arg7 : memref<160x128xi32, #tpu.memory_space<vmem>>)
      tpu.yield
    }) : () -> ()
    %mul3A_3 = arith.constant 160 : i32
    %mul3A_4 = arith.muli %arg1, %mul3A_3 : i32
    "tpu.region"() ({
      %run_scoped3A = tpu.sem_alloc : memref<!tpu.dma_semaphore, #tpu.memory_space<semaphore_mem>>
      %dma_start3A_50 = arith.constant 0 : i32
      %dma_start3A_51 = tpu.memref_slice %arg4[%mul3A_4, %dma_start3A_50] : memref<2560x128xi32, #tpu.memory_space<hbm>> -> memref<160x128xi32, #tpu.memory_space<hbm>>
      %dma_start3A_52 = arith.constant 0 : i32
      %dma_start3A_53 = tpu.memref_slice %arg4[%mul3A_4, %dma_start3A_52] : memref<2560x128xi32, #tpu.memory_space<hbm>> -> memref<160x128xi32, #tpu.memory_space<hbm>>
      tpu.enqueue_dma source(%dma_start3A_53 : memref<160x128xi32, #tpu.memory_space<hbm>>) target(%arg8 : memref<160x128xi32, #tpu.memory_space<vmem>>) target_semaphore(%run_scoped3A : memref<!tpu.dma_semaphore, #tpu.memory_space<semaphore_mem>>)
      %dma_wait3A = arith.constant 0 : i32
      %dma_wait3A_54 = tpu.memref_slice %arg4[%mul3A_4, %dma_wait3A] : memref<2560x128xi32, #tpu.memory_space<hbm>> -> memref<160x128xi32, #tpu.memory_space<hbm>>
      %dma_wait3A_55 = arith.constant 0 : i32
      %dma_wait3A_56 = tpu.memref_slice %arg4[%mul3A_4, %dma_wait3A_55] : memref<2560x128xi32, #tpu.memory_space<hbm>> -> memref<160x128xi32, #tpu.memory_space<hbm>>
      tpu.wait_dma2 semaphore(%run_scoped3A : memref<!tpu.dma_semaphore, #tpu.memory_space<semaphore_mem>>) src(%dma_wait3A_56 : memref<160x128xi32, #tpu.memory_space<hbm>>) dst(%arg8 : memref<160x128xi32, #tpu.memory_space<vmem>>)
      tpu.yield
    }) : () -> ()
    %mul3A_5 = arith.constant 640 : i32
    %mul3A_6 = arith.muli %arg1, %mul3A_5 : i32
    %mul3A_7 = arith.constant 640 : i32
    %mul3A_8 = arith.muli %arg1, %mul3A_7 : i32
    "tpu.region"() ({
      %run_scoped3A = tpu.sem_alloc : memref<!tpu.dma_semaphore, #tpu.memory_space<semaphore_mem>>
      %dma_start3A_50 = arith.constant 0 : i32
      %dma_start3A_51 = tpu.memref_slice %arg15[%mul3A_8, %dma_start3A_50] : memref<10240x64xf32, #tpu.memory_space<vmem_shared>> -> memref<640x64xf32, #tpu.memory_space<vmem_shared>>
      %dma_start3A_52 = arith.constant 0 : i32
      %dma_start3A_53 = tpu.memref_slice %arg5[%mul3A_6, %dma_start3A_52] : memref<10240x64xf32, #tpu.memory_space<hbm>> -> memref<640x64xf32, #tpu.memory_space<hbm>>
      tpu.enqueue_dma source(%dma_start3A_53 : memref<640x64xf32, #tpu.memory_space<hbm>>) target(%dma_start3A_51 : memref<640x64xf32, #tpu.memory_space<vmem_shared>>) target_semaphore(%run_scoped3A : memref<!tpu.dma_semaphore, #tpu.memory_space<semaphore_mem>>)
      %dma_wait3A = arith.constant 0 : i32
      %dma_wait3A_54 = tpu.memref_slice %arg15[%mul3A_8, %dma_wait3A] : memref<10240x64xf32, #tpu.memory_space<vmem_shared>> -> memref<640x64xf32, #tpu.memory_space<vmem_shared>>
      %dma_wait3A_55 = arith.constant 0 : i32
      %dma_wait3A_56 = tpu.memref_slice %arg5[%mul3A_6, %dma_wait3A_55] : memref<10240x64xf32, #tpu.memory_space<hbm>> -> memref<640x64xf32, #tpu.memory_space<hbm>>
      tpu.wait_dma2 semaphore(%run_scoped3A : memref<!tpu.dma_semaphore, #tpu.memory_space<semaphore_mem>>) src(%dma_wait3A_56 : memref<640x64xf32, #tpu.memory_space<hbm>>) dst(%dma_wait3A_54 : memref<640x64xf32, #tpu.memory_space<vmem_shared>>)
      tpu.yield
    }) : () -> ()
    %barrier3A = arith.constant 0 : index
    tpu.barrier barrier_id(%barrier3A)
    %dma_start3A = arith.constant 0 : i32
    %dma_start3A_9 = arith.constant 0 : i32
    %dma_start3A_10 = tpu.memref_slice %arg7[%dma_start3A, %dma_start3A_9] : memref<160x128xi32, #tpu.memory_space<vmem>> -> memref<1x128xi32, #tpu.memory_space<vmem>>
    %dma_start3A_11 = tpu.memref_squeeze %dma_start3A_10 : memref<1x128xi32, #tpu.memory_space<vmem>> -> memref<128xi32, #tpu.memory_space<vmem>>
    %dma_start3A_12 = arith.constant 0 : i32
    %dma_start3A_13 = arith.constant 0 : i32
    %dma_start3A_14 = tpu.memref_slice %arg2[%dma_start3A_12, %dma_start3A_13] : memref<20480x64xf32, #tpu.memory_space<hbm>> -> memref<20480x64xf32, #tpu.memory_space<hbm>>
    tpu.enqueue_indirect_dma source(%dma_start3A_14 : memref<20480x64xf32, #tpu.memory_space<hbm>>) target(%arg9 : memref<128x64xf32, #tpu.memory_space<vmem>>) offsets(%dma_start3A_11 : memref<128xi32, #tpu.memory_space<vmem>>) semaphore(%arg16 : memref<!tpu.dma_semaphore, #tpu.memory_space<semaphore_mem>>)
    %dma_start3A_15 = arith.constant 1 : i32
    %dma_start3A_16 = arith.constant 0 : i32
    %dma_start3A_17 = tpu.memref_slice %arg7[%dma_start3A_15, %dma_start3A_16] : memref<160x128xi32, #tpu.memory_space<vmem>> -> memref<1x128xi32, #tpu.memory_space<vmem>>
    %dma_start3A_18 = tpu.memref_squeeze %dma_start3A_17 : memref<1x128xi32, #tpu.memory_space<vmem>> -> memref<128xi32, #tpu.memory_space<vmem>>
    %dma_start3A_19 = arith.constant 0 : i32
    %dma_start3A_20 = arith.constant 0 : i32
    %dma_start3A_21 = tpu.memref_slice %arg2[%dma_start3A_19, %dma_start3A_20] : memref<20480x64xf32, #tpu.memory_space<hbm>> -> memref<20480x64xf32, #tpu.memory_space<hbm>>
    tpu.enqueue_indirect_dma source(%dma_start3A_21 : memref<20480x64xf32, #tpu.memory_space<hbm>>) target(%arg10 : memref<128x64xf32, #tpu.memory_space<vmem>>) offsets(%dma_start3A_18 : memref<128xi32, #tpu.memory_space<vmem>>) semaphore(%arg17 : memref<!tpu.dma_semaphore, #tpu.memory_space<semaphore_mem>>)
    %dma_start3A_22 = arith.constant 2 : i32
    %dma_start3A_23 = arith.constant 0 : i32
    %dma_start3A_24 = tpu.memref_slice %arg7[%dma_start3A_22, %dma_start3A_23] : memref<160x128xi32, #tpu.memory_space<vmem>> -> memref<1x128xi32, #tpu.memory_space<vmem>>
    %dma_start3A_25 = tpu.memref_squeeze %dma_start3A_24 : memref<1x128xi32, #tpu.memory_space<vmem>> -> memref<128xi32, #tpu.memory_space<vmem>>
    %dma_start3A_26 = arith.constant 0 : i32
    %dma_start3A_27 = arith.constant 0 : i32
    %dma_start3A_28 = tpu.memref_slice %arg2[%dma_start3A_26, %dma_start3A_27] : memref<20480x64xf32, #tpu.memory_space<hbm>> -> memref<20480x64xf32, #tpu.memory_space<hbm>>
    tpu.enqueue_indirect_dma source(%dma_start3A_28 : memref<20480x64xf32, #tpu.memory_space<hbm>>) target(%arg11 : memref<128x64xf32, #tpu.memory_space<vmem>>) offsets(%dma_start3A_25 : memref<128xi32, #tpu.memory_space<vmem>>) semaphore(%arg13 : memref<!tpu.dma_semaphore, #tpu.memory_space<semaphore_mem>>)
    %dma_start3A_29 = arith.constant 3 : i32
    %dma_start3A_30 = arith.constant 0 : i32
    %dma_start3A_31 = tpu.memref_slice %arg7[%dma_start3A_29, %dma_start3A_30] : memref<160x128xi32, #tpu.memory_space<vmem>> -> memref<1x128xi32, #tpu.memory_space<vmem>>
    %dma_start3A_32 = tpu.memref_squeeze %dma_start3A_31 : memref<1x128xi32, #tpu.memory_space<vmem>> -> memref<128xi32, #tpu.memory_space<vmem>>
    %dma_start3A_33 = arith.constant 0 : i32
    %dma_start3A_34 = arith.constant 0 : i32
    %dma_start3A_35 = tpu.memref_slice %arg2[%dma_start3A_33, %dma_start3A_34] : memref<20480x64xf32, #tpu.memory_space<hbm>> -> memref<20480x64xf32, #tpu.memory_space<hbm>>
    tpu.enqueue_indirect_dma source(%dma_start3A_35 : memref<20480x64xf32, #tpu.memory_space<hbm>>) target(%arg12 : memref<128x64xf32, #tpu.memory_space<vmem>>) offsets(%dma_start3A_32 : memref<128xi32, #tpu.memory_space<vmem>>) semaphore(%arg14 : memref<!tpu.dma_semaphore, #tpu.memory_space<semaphore_mem>>)
    %scan3A = arith.constant 0 : i32
    %scan3A_36 = arith.constant 0 : i32
    %scan3A_37 = arith.constant 40 : i32
    %scan3A_38 = arith.addi %scan3A_36, %scan3A_37 : i32
    %scan3A_39 = arith.constant 1 : i32
    %scan3A_40 = scf.for %scan3A_50 = %scan3A_36 to %scan3A_38 step %scan3A_39 iter_args(%scan3A_51 = %scan3A) -> (i32)  : i32 {
      %mul3A_52 = arith.constant 4 : i32
      %mul3A_53 = arith.muli %scan3A_50, %mul3A_52 : i32
      %add3A_54 = arith.constant 0 : i32
      %add3A_55 = arith.addi %mul3A_53, %add3A_54 : i32
      %dma_wait3A = arith.constant 0 : i32
      %dma_wait3A_56 = tpu.memref_slice %arg7[%add3A_55, %dma_wait3A] : memref<160x128xi32, #tpu.memory_space<vmem>> -> memref<1x128xi32, #tpu.memory_space<vmem>>
      %dma_wait3A_57 = tpu.memref_squeeze %dma_wait3A_56 : memref<1x128xi32, #tpu.memory_space<vmem>> -> memref<128xi32, #tpu.memory_space<vmem>>
      %dma_wait3A_58 = arith.constant 0 : i32
      %dma_wait3A_59 = arith.constant 0 : i32
      %dma_wait3A_60 = tpu.memref_slice %arg2[%dma_wait3A_58, %dma_wait3A_59] : memref<20480x64xf32, #tpu.memory_space<hbm>> -> memref<20480x64xf32, #tpu.memory_space<hbm>>
      tpu.wait_indirect_dma semaphore(%arg16 : memref<!tpu.dma_semaphore, #tpu.memory_space<semaphore_mem>>) src(%dma_wait3A_60 : memref<20480x64xf32, #tpu.memory_space<hbm>>) dst(%arg9 : memref<128x64xf32, #tpu.memory_space<vmem>>)
      "tpu.region"() ({
        %run_scoped3A = tpu.sem_alloc : memref<!tpu.dma_semaphore, #tpu.memory_space<semaphore_mem>>
        %dma_start3A_111 = arith.constant 0 : i32
        %dma_start3A_112 = tpu.memref_slice %arg8[%add3A_55, %dma_start3A_111] : memref<160x128xi32, #tpu.memory_space<vmem>> -> memref<1x128xi32, #tpu.memory_space<vmem>>
        %dma_start3A_113 = tpu.memref_squeeze %dma_start3A_112 : memref<1x128xi32, #tpu.memory_space<vmem>> -> memref<128xi32, #tpu.memory_space<vmem>>
        %dma_start3A_114 = arith.constant 0 : i32
        %dma_start3A_115 = arith.constant 0 : i32
        %dma_start3A_116 = tpu.memref_slice %arg15[%dma_start3A_114, %dma_start3A_115] : memref<10240x64xf32, #tpu.memory_space<vmem_shared>> -> memref<10240x64xf32, #tpu.memory_space<vmem_shared>>
        tpu.enqueue_indirect_dma source(%arg9 : memref<128x64xf32, #tpu.memory_space<vmem>>) target(%dma_start3A_116 : memref<10240x64xf32, #tpu.memory_space<vmem_shared>>) offsets(%dma_start3A_113 : memref<128xi32, #tpu.memory_space<vmem>>) semaphore(%run_scoped3A : memref<!tpu.dma_semaphore, #tpu.memory_space<semaphore_mem>>) {add = true}
        %dma_wait3A_117 = arith.constant 0 : i32
        %dma_wait3A_118 = tpu.memref_slice %arg8[%add3A_55, %dma_wait3A_117] : memref<160x128xi32, #tpu.memory_space<vmem>> -> memref<1x128xi32, #tpu.memory_space<vmem>>
        %dma_wait3A_119 = tpu.memref_squeeze %dma_wait3A_118 : memref<1x128xi32, #tpu.memory_space<vmem>> -> memref<128xi32, #tpu.memory_space<vmem>>
        %dma_wait3A_120 = arith.constant 0 : i32
        %dma_wait3A_121 = arith.constant 0 : i32
        %dma_wait3A_122 = tpu.memref_slice %arg15[%dma_wait3A_120, %dma_wait3A_121] : memref<10240x64xf32, #tpu.memory_space<vmem_shared>> -> memref<10240x64xf32, #tpu.memory_space<vmem_shared>>
        tpu.wait_indirect_dma semaphore(%run_scoped3A : memref<!tpu.dma_semaphore, #tpu.memory_space<semaphore_mem>>) src(%arg9 : memref<128x64xf32, #tpu.memory_space<vmem>>) dst(%dma_wait3A_122 : memref<10240x64xf32, #tpu.memory_space<vmem_shared>>)
        tpu.yield
      }) : () -> ()
      %add3A_61 = arith.constant 4 : i32
      %add3A_62 = arith.addi %add3A_55, %add3A_61 : i32
      %lt3A = arith.constant 160 : i32
      %lt3A_63 = arith.cmpi slt, %add3A_62, %lt3A : i32
      %convert_element_type3A = arith.extui %lt3A_63 : i1 to i32
      %cond3A = arith.constant 0 : i32
      %cond3A_64 = arith.cmpi ne, %convert_element_type3A, %cond3A : i32
      scf.if %cond3A_64 {
        %add3A_111 = arith.constant 4 : i32
        %add3A_112 = arith.addi %add3A_55, %add3A_111 : i32
        %dma_start3A_113 = arith.constant 0 : i32
        %dma_start3A_114 = tpu.memref_slice %arg7[%add3A_112, %dma_start3A_113] : memref<160x128xi32, #tpu.memory_space<vmem>> -> memref<1x128xi32, #tpu.memory_space<vmem>>
        %dma_start3A_115 = tpu.memref_squeeze %dma_start3A_114 : memref<1x128xi32, #tpu.memory_space<vmem>> -> memref<128xi32, #tpu.memory_space<vmem>>
        %dma_start3A_116 = arith.constant 0 : i32
        %dma_start3A_117 = arith.constant 0 : i32
        %dma_start3A_118 = tpu.memref_slice %arg2[%dma_start3A_116, %dma_start3A_117] : memref<20480x64xf32, #tpu.memory_space<hbm>> -> memref<20480x64xf32, #tpu.memory_space<hbm>>
        tpu.enqueue_indirect_dma source(%dma_start3A_118 : memref<20480x64xf32, #tpu.memory_space<hbm>>) target(%arg9 : memref<128x64xf32, #tpu.memory_space<vmem>>) offsets(%dma_start3A_115 : memref<128xi32, #tpu.memory_space<vmem>>) semaphore(%arg16 : memref<!tpu.dma_semaphore, #tpu.memory_space<semaphore_mem>>)
      } else {
      }
      %add3A_65 = arith.constant 1 : i32
      %add3A_66 = arith.addi %mul3A_53, %add3A_65 : i32
      %dma_wait3A_67 = arith.constant 0 : i32
      %dma_wait3A_68 = tpu.memref_slice %arg7[%add3A_66, %dma_wait3A_67] : memref<160x128xi32, #tpu.memory_space<vmem>> -> memref<1x128xi32, #tpu.memory_space<vmem>>
      %dma_wait3A_69 = tpu.memref_squeeze %dma_wait3A_68 : memref<1x128xi32, #tpu.memory_space<vmem>> -> memref<128xi32, #tpu.memory_space<vmem>>
      %dma_wait3A_70 = arith.constant 0 : i32
      %dma_wait3A_71 = arith.constant 0 : i32
      %dma_wait3A_72 = tpu.memref_slice %arg2[%dma_wait3A_70, %dma_wait3A_71] : memref<20480x64xf32, #tpu.memory_space<hbm>> -> memref<20480x64xf32, #tpu.memory_space<hbm>>
      tpu.wait_indirect_dma semaphore(%arg17 : memref<!tpu.dma_semaphore, #tpu.memory_space<semaphore_mem>>) src(%dma_wait3A_72 : memref<20480x64xf32, #tpu.memory_space<hbm>>) dst(%arg10 : memref<128x64xf32, #tpu.memory_space<vmem>>)
      "tpu.region"() ({
        %run_scoped3A = tpu.sem_alloc : memref<!tpu.dma_semaphore, #tpu.memory_space<semaphore_mem>>
        %dma_start3A_111 = arith.constant 0 : i32
        %dma_start3A_112 = tpu.memref_slice %arg8[%add3A_66, %dma_start3A_111] : memref<160x128xi32, #tpu.memory_space<vmem>> -> memref<1x128xi32, #tpu.memory_space<vmem>>
        %dma_start3A_113 = tpu.memref_squeeze %dma_start3A_112 : memref<1x128xi32, #tpu.memory_space<vmem>> -> memref<128xi32, #tpu.memory_space<vmem>>
        %dma_start3A_114 = arith.constant 0 : i32
        %dma_start3A_115 = arith.constant 0 : i32
        %dma_start3A_116 = tpu.memref_slice %arg15[%dma_start3A_114, %dma_start3A_115] : memref<10240x64xf32, #tpu.memory_space<vmem_shared>> -> memref<10240x64xf32, #tpu.memory_space<vmem_shared>>
        tpu.enqueue_indirect_dma source(%arg10 : memref<128x64xf32, #tpu.memory_space<vmem>>) target(%dma_start3A_116 : memref<10240x64xf32, #tpu.memory_space<vmem_shared>>) offsets(%dma_start3A_113 : memref<128xi32, #tpu.memory_space<vmem>>) semaphore(%run_scoped3A : memref<!tpu.dma_semaphore, #tpu.memory_space<semaphore_mem>>) {add = true}
        %dma_wait3A_117 = arith.constant 0 : i32
        %dma_wait3A_118 = tpu.memref_slice %arg8[%add3A_66, %dma_wait3A_117] : memref<160x128xi32, #tpu.memory_space<vmem>> -> memref<1x128xi32, #tpu.memory_space<vmem>>
        %dma_wait3A_119 = tpu.memref_squeeze %dma_wait3A_118 : memref<1x128xi32, #tpu.memory_space<vmem>> -> memref<128xi32, #tpu.memory_space<vmem>>
        %dma_wait3A_120 = arith.constant 0 : i32
        %dma_wait3A_121 = arith.constant 0 : i32
        %dma_wait3A_122 = tpu.memref_slice %arg15[%dma_wait3A_120, %dma_wait3A_121] : memref<10240x64xf32, #tpu.memory_space<vmem_shared>> -> memref<10240x64xf32, #tpu.memory_space<vmem_shared>>
        tpu.wait_indirect_dma semaphore(%run_scoped3A : memref<!tpu.dma_semaphore, #tpu.memory_space<semaphore_mem>>) src(%arg10 : memref<128x64xf32, #tpu.memory_space<vmem>>) dst(%dma_wait3A_122 : memref<10240x64xf32, #tpu.memory_space<vmem_shared>>)
        tpu.yield
      }) : () -> ()
      %add3A_73 = arith.constant 4 : i32
      %add3A_74 = arith.addi %add3A_66, %add3A_73 : i32
      %lt3A_75 = arith.constant 160 : i32
      %lt3A_76 = arith.cmpi slt, %add3A_74, %lt3A_75 : i32
      %convert_element_type3A_77 = arith.extui %lt3A_76 : i1 to i32
      %cond3A_78 = arith.constant 0 : i32
      %cond3A_79 = arith.cmpi ne, %convert_element_type3A_77, %cond3A_78 : i32
      scf.if %cond3A_79 {
        %add3A_111 = arith.constant 4 : i32
        %add3A_112 = arith.addi %add3A_66, %add3A_111 : i32
        %dma_start3A_113 = arith.constant 0 : i32
        %dma_start3A_114 = tpu.memref_slice %arg7[%add3A_112, %dma_start3A_113] : memref<160x128xi32, #tpu.memory_space<vmem>> -> memref<1x128xi32, #tpu.memory_space<vmem>>
        %dma_start3A_115 = tpu.memref_squeeze %dma_start3A_114 : memref<1x128xi32, #tpu.memory_space<vmem>> -> memref<128xi32, #tpu.memory_space<vmem>>
        %dma_start3A_116 = arith.constant 0 : i32
        %dma_start3A_117 = arith.constant 0 : i32
        %dma_start3A_118 = tpu.memref_slice %arg2[%dma_start3A_116, %dma_start3A_117] : memref<20480x64xf32, #tpu.memory_space<hbm>> -> memref<20480x64xf32, #tpu.memory_space<hbm>>
        tpu.enqueue_indirect_dma source(%dma_start3A_118 : memref<20480x64xf32, #tpu.memory_space<hbm>>) target(%arg10 : memref<128x64xf32, #tpu.memory_space<vmem>>) offsets(%dma_start3A_115 : memref<128xi32, #tpu.memory_space<vmem>>) semaphore(%arg17 : memref<!tpu.dma_semaphore, #tpu.memory_space<semaphore_mem>>)
      } else {
      }
      %add3A_80 = arith.constant 2 : i32
      %add3A_81 = arith.addi %mul3A_53, %add3A_80 : i32
      %dma_wait3A_82 = arith.constant 0 : i32
      %dma_wait3A_83 = tpu.memref_slice %arg7[%add3A_81, %dma_wait3A_82] : memref<160x128xi32, #tpu.memory_space<vmem>> -> memref<1x128xi32, #tpu.memory_space<vmem>>
      %dma_wait3A_84 = tpu.memref_squeeze %dma_wait3A_83 : memref<1x128xi32, #tpu.memory_space<vmem>> -> memref<128xi32, #tpu.memory_space<vmem>>
      %dma_wait3A_85 = arith.constant 0 : i32
      %dma_wait3A_86 = arith.constant 0 : i32
      %dma_wait3A_87 = tpu.memref_slice %arg2[%dma_wait3A_85, %dma_wait3A_86] : memref<20480x64xf32, #tpu.memory_space<hbm>> -> memref<20480x64xf32, #tpu.memory_space<hbm>>
      tpu.wait_indirect_dma semaphore(%arg13 : memref<!tpu.dma_semaphore, #tpu.memory_space<semaphore_mem>>) src(%dma_wait3A_87 : memref<20480x64xf32, #tpu.memory_space<hbm>>) dst(%arg11 : memref<128x64xf32, #tpu.memory_space<vmem>>)
      "tpu.region"() ({
        %run_scoped3A = tpu.sem_alloc : memref<!tpu.dma_semaphore, #tpu.memory_space<semaphore_mem>>
        %dma_start3A_111 = arith.constant 0 : i32
        %dma_start3A_112 = tpu.memref_slice %arg8[%add3A_81, %dma_start3A_111] : memref<160x128xi32, #tpu.memory_space<vmem>> -> memref<1x128xi32, #tpu.memory_space<vmem>>
        %dma_start3A_113 = tpu.memref_squeeze %dma_start3A_112 : memref<1x128xi32, #tpu.memory_space<vmem>> -> memref<128xi32, #tpu.memory_space<vmem>>
        %dma_start3A_114 = arith.constant 0 : i32
        %dma_start3A_115 = arith.constant 0 : i32
        %dma_start3A_116 = tpu.memref_slice %arg15[%dma_start3A_114, %dma_start3A_115] : memref<10240x64xf32, #tpu.memory_space<vmem_shared>> -> memref<10240x64xf32, #tpu.memory_space<vmem_shared>>
        tpu.enqueue_indirect_dma source(%arg11 : memref<128x64xf32, #tpu.memory_space<vmem>>) target(%dma_start3A_116 : memref<10240x64xf32, #tpu.memory_space<vmem_shared>>) offsets(%dma_start3A_113 : memref<128xi32, #tpu.memory_space<vmem>>) semaphore(%run_scoped3A : memref<!tpu.dma_semaphore, #tpu.memory_space<semaphore_mem>>) {add = true}
        %dma_wait3A_117 = arith.constant 0 : i32
        %dma_wait3A_118 = tpu.memref_slice %arg8[%add3A_81, %dma_wait3A_117] : memref<160x128xi32, #tpu.memory_space<vmem>> -> memref<1x128xi32, #tpu.memory_space<vmem>>
        %dma_wait3A_119 = tpu.memref_squeeze %dma_wait3A_118 : memref<1x128xi32, #tpu.memory_space<vmem>> -> memref<128xi32, #tpu.memory_space<vmem>>
        %dma_wait3A_120 = arith.constant 0 : i32
        %dma_wait3A_121 = arith.constant 0 : i32
        %dma_wait3A_122 = tpu.memref_slice %arg15[%dma_wait3A_120, %dma_wait3A_121] : memref<10240x64xf32, #tpu.memory_space<vmem_shared>> -> memref<10240x64xf32, #tpu.memory_space<vmem_shared>>
        tpu.wait_indirect_dma semaphore(%run_scoped3A : memref<!tpu.dma_semaphore, #tpu.memory_space<semaphore_mem>>) src(%arg11 : memref<128x64xf32, #tpu.memory_space<vmem>>) dst(%dma_wait3A_122 : memref<10240x64xf32, #tpu.memory_space<vmem_shared>>)
        tpu.yield
      }) : () -> ()
      %add3A_88 = arith.constant 4 : i32
      %add3A_89 = arith.addi %add3A_81, %add3A_88 : i32
      %lt3A_90 = arith.constant 160 : i32
      %lt3A_91 = arith.cmpi slt, %add3A_89, %lt3A_90 : i32
      %convert_element_type3A_92 = arith.extui %lt3A_91 : i1 to i32
      %cond3A_93 = arith.constant 0 : i32
      %cond3A_94 = arith.cmpi ne, %convert_element_type3A_92, %cond3A_93 : i32
      scf.if %cond3A_94 {
        %add3A_111 = arith.constant 4 : i32
        %add3A_112 = arith.addi %add3A_81, %add3A_111 : i32
        %dma_start3A_113 = arith.constant 0 : i32
        %dma_start3A_114 = tpu.memref_slice %arg7[%add3A_112, %dma_start3A_113] : memref<160x128xi32, #tpu.memory_space<vmem>> -> memref<1x128xi32, #tpu.memory_space<vmem>>
        %dma_start3A_115 = tpu.memref_squeeze %dma_start3A_114 : memref<1x128xi32, #tpu.memory_space<vmem>> -> memref<128xi32, #tpu.memory_space<vmem>>
        %dma_start3A_116 = arith.constant 0 : i32
        %dma_start3A_117 = arith.constant 0 : i32
        %dma_start3A_118 = tpu.memref_slice %arg2[%dma_start3A_116, %dma_start3A_117] : memref<20480x64xf32, #tpu.memory_space<hbm>> -> memref<20480x64xf32, #tpu.memory_space<hbm>>
        tpu.enqueue_indirect_dma source(%dma_start3A_118 : memref<20480x64xf32, #tpu.memory_space<hbm>>) target(%arg11 : memref<128x64xf32, #tpu.memory_space<vmem>>) offsets(%dma_start3A_115 : memref<128xi32, #tpu.memory_space<vmem>>) semaphore(%arg13 : memref<!tpu.dma_semaphore, #tpu.memory_space<semaphore_mem>>)
      } else {
      }
      %add3A_95 = arith.constant 3 : i32
      %add3A_96 = arith.addi %mul3A_53, %add3A_95 : i32
      %dma_wait3A_97 = arith.constant 0 : i32
      %dma_wait3A_98 = tpu.memref_slice %arg7[%add3A_96, %dma_wait3A_97] : memref<160x128xi32, #tpu.memory_space<vmem>> -> memref<1x128xi32, #tpu.memory_space<vmem>>
      %dma_wait3A_99 = tpu.memref_squeeze %dma_wait3A_98 : memref<1x128xi32, #tpu.memory_space<vmem>> -> memref<128xi32, #tpu.memory_space<vmem>>
      %dma_wait3A_100 = arith.constant 0 : i32
      %dma_wait3A_101 = arith.constant 0 : i32
      %dma_wait3A_102 = tpu.memref_slice %arg2[%dma_wait3A_100, %dma_wait3A_101] : memref<20480x64xf32, #tpu.memory_space<hbm>> -> memref<20480x64xf32, #tpu.memory_space<hbm>>
      tpu.wait_indirect_dma semaphore(%arg14 : memref<!tpu.dma_semaphore, #tpu.memory_space<semaphore_mem>>) src(%dma_wait3A_102 : memref<20480x64xf32, #tpu.memory_space<hbm>>) dst(%arg12 : memref<128x64xf32, #tpu.memory_space<vmem>>)
      "tpu.region"() ({
        %run_scoped3A = tpu.sem_alloc : memref<!tpu.dma_semaphore, #tpu.memory_space<semaphore_mem>>
        %dma_start3A_111 = arith.constant 0 : i32
        %dma_start3A_112 = tpu.memref_slice %arg8[%add3A_96, %dma_start3A_111] : memref<160x128xi32, #tpu.memory_space<vmem>> -> memref<1x128xi32, #tpu.memory_space<vmem>>
        %dma_start3A_113 = tpu.memref_squeeze %dma_start3A_112 : memref<1x128xi32, #tpu.memory_space<vmem>> -> memref<128xi32, #tpu.memory_space<vmem>>
        %dma_start3A_114 = arith.constant 0 : i32
        %dma_start3A_115 = arith.constant 0 : i32
        %dma_start3A_116 = tpu.memref_slice %arg15[%dma_start3A_114, %dma_start3A_115] : memref<10240x64xf32, #tpu.memory_space<vmem_shared>> -> memref<10240x64xf32, #tpu.memory_space<vmem_shared>>
        tpu.enqueue_indirect_dma source(%arg12 : memref<128x64xf32, #tpu.memory_space<vmem>>) target(%dma_start3A_116 : memref<10240x64xf32, #tpu.memory_space<vmem_shared>>) offsets(%dma_start3A_113 : memref<128xi32, #tpu.memory_space<vmem>>) semaphore(%run_scoped3A : memref<!tpu.dma_semaphore, #tpu.memory_space<semaphore_mem>>) {add = true}
        %dma_wait3A_117 = arith.constant 0 : i32
        %dma_wait3A_118 = tpu.memref_slice %arg8[%add3A_96, %dma_wait3A_117] : memref<160x128xi32, #tpu.memory_space<vmem>> -> memref<1x128xi32, #tpu.memory_space<vmem>>
        %dma_wait3A_119 = tpu.memref_squeeze %dma_wait3A_118 : memref<1x128xi32, #tpu.memory_space<vmem>> -> memref<128xi32, #tpu.memory_space<vmem>>
        %dma_wait3A_120 = arith.constant 0 : i32
        %dma_wait3A_121 = arith.constant 0 : i32
        %dma_wait3A_122 = tpu.memref_slice %arg15[%dma_wait3A_120, %dma_wait3A_121] : memref<10240x64xf32, #tpu.memory_space<vmem_shared>> -> memref<10240x64xf32, #tpu.memory_space<vmem_shared>>
        tpu.wait_indirect_dma semaphore(%run_scoped3A : memref<!tpu.dma_semaphore, #tpu.memory_space<semaphore_mem>>) src(%arg12 : memref<128x64xf32, #tpu.memory_space<vmem>>) dst(%dma_wait3A_122 : memref<10240x64xf32, #tpu.memory_space<vmem_shared>>)
        tpu.yield
      }) : () -> ()
      %add3A_103 = arith.constant 4 : i32
      %add3A_104 = arith.addi %add3A_96, %add3A_103 : i32
      %lt3A_105 = arith.constant 160 : i32
      %lt3A_106 = arith.cmpi slt, %add3A_104, %lt3A_105 : i32
      %convert_element_type3A_107 = arith.extui %lt3A_106 : i1 to i32
      %cond3A_108 = arith.constant 0 : i32
      %cond3A_109 = arith.cmpi ne, %convert_element_type3A_107, %cond3A_108 : i32
      scf.if %cond3A_109 {
        %add3A_111 = arith.constant 4 : i32
        %add3A_112 = arith.addi %add3A_96, %add3A_111 : i32
        %dma_start3A_113 = arith.constant 0 : i32
        %dma_start3A_114 = tpu.memref_slice %arg7[%add3A_112, %dma_start3A_113] : memref<160x128xi32, #tpu.memory_space<vmem>> -> memref<1x128xi32, #tpu.memory_space<vmem>>
        %dma_start3A_115 = tpu.memref_squeeze %dma_start3A_114 : memref<1x128xi32, #tpu.memory_space<vmem>> -> memref<128xi32, #tpu.memory_space<vmem>>
        %dma_start3A_116 = arith.constant 0 : i32
        %dma_start3A_117 = arith.constant 0 : i32
        %dma_start3A_118 = tpu.memref_slice %arg2[%dma_start3A_116, %dma_start3A_117] : memref<20480x64xf32, #tpu.memory_space<hbm>> -> memref<20480x64xf32, #tpu.memory_space<hbm>>
        tpu.enqueue_indirect_dma source(%dma_start3A_118 : memref<20480x64xf32, #tpu.memory_space<hbm>>) target(%arg12 : memref<128x64xf32, #tpu.memory_space<vmem>>) offsets(%dma_start3A_115 : memref<128xi32, #tpu.memory_space<vmem>>) semaphore(%arg14 : memref<!tpu.dma_semaphore, #tpu.memory_space<semaphore_mem>>)
      } else {
      }
      %scan3A_110 = arith.constant 0 : i32
      scf.yield %scan3A_110 : i32
    }
    %scan3A_41 = arith.constant 40 : i32
    %barrier3A_42 = arith.constant 0 : index
    tpu.barrier barrier_id(%barrier3A_42)
    %mul3A_43 = arith.constant 640 : i32
    %mul3A_44 = arith.muli %arg1, %mul3A_43 : i32
    %mul3A_45 = arith.constant 10240 : i32
    %mul3A_46 = arith.muli %arg0, %mul3A_45 : i32
    %mul3A_47 = arith.constant 640 : i32
    %mul3A_48 = arith.muli %arg1, %mul3A_47 : i32
    %add3A_49 = arith.addi %mul3A_46, %mul3A_48 : i32
    "tpu.region"() ({
      %run_scoped3A = tpu.sem_alloc : memref<!tpu.dma_semaphore, #tpu.memory_space<semaphore_mem>>
      %dma_start3A_50 = arith.constant 0 : i32
      %dma_start3A_51 = tpu.memref_slice %arg6[%add3A_49, %dma_start3A_50] : memref<20480x64xf32, #tpu.memory_space<hbm>> -> memref<640x64xf32, #tpu.memory_space<hbm>>
      %dma_start3A_52 = arith.constant 0 : i32
      %dma_start3A_53 = tpu.memref_slice %arg15[%mul3A_44, %dma_start3A_52] : memref<10240x64xf32, #tpu.memory_space<vmem_shared>> -> memref<640x64xf32, #tpu.memory_space<vmem_shared>>
      tpu.enqueue_dma source(%dma_start3A_53 : memref<640x64xf32, #tpu.memory_space<vmem_shared>>) target(%dma_start3A_51 : memref<640x64xf32, #tpu.memory_space<hbm>>) target_semaphore(%run_scoped3A : memref<!tpu.dma_semaphore, #tpu.memory_space<semaphore_mem>>)
      %dma_wait3A = arith.constant 0 : i32
      %dma_wait3A_54 = tpu.memref_slice %arg6[%add3A_49, %dma_wait3A] : memref<20480x64xf32, #tpu.memory_space<hbm>> -> memref<640x64xf32, #tpu.memory_space<hbm>>
      %dma_wait3A_55 = arith.constant 0 : i32
      %dma_wait3A_56 = tpu.memref_slice %arg15[%mul3A_44, %dma_wait3A_55] : memref<10240x64xf32, #tpu.memory_space<vmem_shared>> -> memref<640x64xf32, #tpu.memory_space<vmem_shared>>
      tpu.wait_dma2 semaphore(%run_scoped3A : memref<!tpu.dma_semaphore, #tpu.memory_space<semaphore_mem>>) src(%dma_wait3A_56 : memref<640x64xf32, #tpu.memory_space<vmem_shared>>) dst(%dma_wait3A_54 : memref<640x64xf32, #tpu.memory_space<hbm>>)
      tpu.yield
    }) : () -> ()
    return
  }
}

module attributes {stable_mosaic.version = 14 : i64} {
  func.func @body(%arg0: i32, %arg1: i32, %arg2: memref<1280x64xf32, #tpu.memory_space<vmem>>, %arg3: memref<1280x64xf32, #tpu.memory_space<vmem>>, %arg4: memref<128x128xf32, #tpu.memory_space<vmem>>, %arg5: memref<1x128xf32, #tpu.memory_space<vmem>>, %arg6: memref<1280x64xf32, #tpu.memory_space<vmem>>) attributes {dimension_semantics = [#tpu.dimension_semantics<arbitrary>, #tpu.dimension_semantics<arbitrary>], iteration_bounds = array<i64: 2, 8>, scalar_prefetch = 0 : i64, scratch_operands = 0 : i64, tpu.core_type = #tpu.core_type<tc>, window_params = [{transform_indices = @transform_0, window_bounds = array<i64: 1280, 64>}, {transform_indices = @transform_1, window_bounds = array<i64: 1280, 64>}, {pipeline_mode = #tpu.pipeline_mode<synchronous>, transform_indices = @transform_2, window_bounds = array<i64: 128, 128>}, {pipeline_mode = #tpu.pipeline_mode<synchronous>, transform_indices = @transform_3, window_bounds = array<i64: 1, 128>}, {transform_indices = @transform_4, window_bounds = array<i64: 1280, 64>}]} {
    %get3A = arith.constant 0 : index
    %get3A_0 = arith.constant 0 : index
    %get3A_1 = vector.load %arg4[%get3A, %get3A_0] : memref<128x128xf32, #tpu.memory_space<vmem>>, vector<128x128xf32>
    %get3A_2 = arith.constant 0 : index
    %get3A_3 = arith.constant 0 : index
    %get3A_4 = vector.load %arg2[%get3A_2, %get3A_3] : memref<1280x64xf32, #tpu.memory_space<vmem>>, vector<1280x64xf32>
    %slice3A = vector.extract_strided_slice %get3A_1 {offsets = [0, 0], sizes = [128, 64], strides = [1, 1]} : vector<128x128xf32> to vector<128x64xf32>
    %dot_general3A = arith.constant dense<0.000000e+00> : vector<1280x128xf32>
    %dot_general3A_5 = tpu.matmul %get3A_4, %slice3A, %dot_general3A {dimension_numbers = #tpu.dot_dimension_numbers<[1], [1], [0], [0], [0, 0, 1, 0], [], []>, transpose_lhs_hint = false} : vector<1280x64xf32>, vector<128x64xf32>, vector<1280x128xf32> -> vector<1280x128xf32>
    %get3A_6 = arith.constant 0 : index
    %get3A_7 = arith.constant 0 : index
    %get3A_8 = vector.load %arg3[%get3A_6, %get3A_7] : memref<1280x64xf32, #tpu.memory_space<vmem>>, vector<1280x64xf32>
    %slice3A_9 = vector.extract_strided_slice %get3A_1 {offsets = [0, 64], sizes = [128, 64], strides = [1, 1]} : vector<128x128xf32> to vector<128x64xf32>
    %dot_general3A_10 = arith.constant dense<0.000000e+00> : vector<1280x128xf32>
    %dot_general3A_11 = tpu.matmul %get3A_8, %slice3A_9, %dot_general3A_10 {dimension_numbers = #tpu.dot_dimension_numbers<[1], [1], [0], [0], [0, 0, 1, 0], [], []>, transpose_lhs_hint = false} : vector<1280x64xf32>, vector<128x64xf32>, vector<1280x128xf32> -> vector<1280x128xf32>
    %add3A = arith.addf %dot_general3A_5, %dot_general3A_11 : vector<1280x128xf32>
    %get3A_12 = arith.constant 0 : index
    %get3A_13 = arith.constant 0 : index
    %get3A_14 = vector.load %arg5[%get3A_12, %get3A_13] : memref<1x128xf32, #tpu.memory_space<vmem>>, vector<1x128xf32>
    %add3A_15 = vector.broadcast %get3A_14 : vector<1x128xf32> to vector<1280x128xf32>
    %add3A_16 = arith.addf %add3A, %add3A_15 : vector<1280x128xf32>
    %eq3A = arith.constant 0 : i32
    %eq3A_17 = arith.cmpi eq, %arg0, %eq3A : i32
    %slice3A_18 = vector.extract_strided_slice %add3A_16 {offsets = [0, 0], sizes = [1280, 64], strides = [1, 1]} : vector<1280x128xf32> to vector<1280x64xf32>
    %slice3A_19 = vector.extract_strided_slice %add3A_16 {offsets = [0, 64], sizes = [1280, 64], strides = [1, 1]} : vector<1280x128xf32> to vector<1280x64xf32>
    %select_n3A = arith.select %eq3A_17, %slice3A_18, %slice3A_19 : vector<1280x64xf32>
    %swap3A = arith.constant 0 : index
    %swap3A_20 = arith.constant 0 : index
    %swap3A_21 = vector.load %arg6[%swap3A, %swap3A_20] : memref<1280x64xf32, #tpu.memory_space<vmem>>, vector<1280x64xf32>
    tpu.vector_store %arg6[%swap3A, %swap3A_20], %select_n3A {strides = array<i32>} : memref<1280x64xf32, #tpu.memory_space<vmem>>, vector<1280x64xf32>,
    return
  }
  func.func @transform_0(%arg0: i32, %arg1: i32) -> (i32, i32) {
    %c0_i32 = arith.constant 0 : i32
    %c0_i32_0 = arith.constant 0 : i32
    return %arg1, %c0_i32 : i32, i32
  }
  func.func @transform_1(%arg0: i32, %arg1: i32) -> (i32, i32) {
    %add3A = arith.constant 8 : i32
    %add3A_0 = arith.addi %add3A, %arg1 : i32
    %c0_i32 = arith.constant 0 : i32
    %c0_i32_1 = arith.constant 0 : i32
    return %add3A_0, %c0_i32 : i32, i32
  }
  func.func @transform_2(%arg0: i32, %arg1: i32) -> (i32, i32) {
    %c0_i32 = arith.constant 0 : i32
    %c0_i32_0 = arith.constant 0 : i32
    %c0_i32_1 = arith.constant 0 : i32
    return %c0_i32, %c0_i32_0 : i32, i32
  }
  func.func @transform_3(%arg0: i32, %arg1: i32) -> (i32, i32) {
    %c0_i32 = arith.constant 0 : i32
    %c0_i32_0 = arith.constant 0 : i32
    %c0_i32_1 = arith.constant 0 : i32
    return %c0_i32, %c0_i32_0 : i32, i32
  }
  func.func @transform_4(%arg0: i32, %arg1: i32) -> (i32, i32) {
    %mul3A = arith.constant 8 : i32
    %mul3A_0 = arith.muli %arg0, %mul3A : i32
    %add3A = arith.addi %mul3A_0, %arg1 : i32
    %c0_i32 = arith.constant 0 : i32
    %c0_i32_1 = arith.constant 0 : i32
    return %add3A, %c0_i32 : i32, i32
  }
}

module attributes {stable_mosaic.version = 14 : i64} {
  func.func @body(%arg0: i32, %arg1: i32, %arg2: memref<1280x64xf32, #tpu.memory_space<vmem>>, %arg3: memref<1280x64xf32, #tpu.memory_space<vmem>>, %arg4: memref<1280x64xf32, #tpu.memory_space<vmem>>, %arg5: memref<1280x64xf32, #tpu.memory_space<vmem>>, %arg6: memref<128x128xf32, #tpu.memory_space<vmem>>, %arg7: memref<1280x64xf32, #tpu.memory_space<vmem>>) attributes {dimension_semantics = [#tpu.dimension_semantics<arbitrary>, #tpu.dimension_semantics<arbitrary>], iteration_bounds = array<i64: 2, 8>, scalar_prefetch = 0 : i64, scratch_operands = 0 : i64, tpu.core_type = #tpu.core_type<tc>, window_params = [{transform_indices = @transform_0, window_bounds = array<i64: 1280, 64>}, {transform_indices = @transform_1, window_bounds = array<i64: 1280, 64>}, {transform_indices = @transform_2, window_bounds = array<i64: 1280, 64>}, {transform_indices = @transform_3, window_bounds = array<i64: 1280, 64>}, {pipeline_mode = #tpu.pipeline_mode<synchronous>, transform_indices = @transform_4, window_bounds = array<i64: 128, 128>}, {transform_indices = @transform_5, window_bounds = array<i64: 1280, 64>}]} {
    %get3A = arith.constant 0 : index
    %get3A_0 = arith.constant 0 : index
    %get3A_1 = vector.load %arg6[%get3A, %get3A_0] : memref<128x128xf32, #tpu.memory_space<vmem>>, vector<128x128xf32>
    %get3A_2 = arith.constant 0 : index
    %get3A_3 = arith.constant 0 : index
    %get3A_4 = vector.load %arg2[%get3A_2, %get3A_3] : memref<1280x64xf32, #tpu.memory_space<vmem>>, vector<1280x64xf32>
    %slice3A = vector.extract_strided_slice %get3A_1 {offsets = [0, 0], sizes = [128, 64], strides = [1, 1]} : vector<128x128xf32> to vector<128x64xf32>
    %dot_general3A = arith.constant dense<0.000000e+00> : vector<1280x128xf32>
    %dot_general3A_5 = tpu.matmul %get3A_4, %slice3A, %dot_general3A {dimension_numbers = #tpu.dot_dimension_numbers<[1], [1], [0], [0], [0, 0, 1, 0], [], []>, transpose_lhs_hint = false} : vector<1280x64xf32>, vector<128x64xf32>, vector<1280x128xf32> -> vector<1280x128xf32>
    %get3A_6 = arith.constant 0 : index
    %get3A_7 = arith.constant 0 : index
    %get3A_8 = vector.load %arg3[%get3A_6, %get3A_7] : memref<1280x64xf32, #tpu.memory_space<vmem>>, vector<1280x64xf32>
    %slice3A_9 = vector.extract_strided_slice %get3A_1 {offsets = [0, 64], sizes = [128, 64], strides = [1, 1]} : vector<128x128xf32> to vector<128x64xf32>
    %dot_general3A_10 = arith.constant dense<0.000000e+00> : vector<1280x128xf32>
    %dot_general3A_11 = tpu.matmul %get3A_8, %slice3A_9, %dot_general3A_10 {dimension_numbers = #tpu.dot_dimension_numbers<[1], [1], [0], [0], [0, 0, 1, 0], [], []>, transpose_lhs_hint = false} : vector<1280x64xf32>, vector<128x64xf32>, vector<1280x128xf32> -> vector<1280x128xf32>
    %add3A = arith.addf %dot_general3A_5, %dot_general3A_11 : vector<1280x128xf32>
    %get3A_12 = arith.constant 0 : index
    %get3A_13 = arith.constant 0 : index
    %get3A_14 = vector.load %arg4[%get3A_12, %get3A_13] : memref<1280x64xf32, #tpu.memory_space<vmem>>, vector<1280x64xf32>
    %get3A_15 = arith.constant 0 : index
    %get3A_16 = arith.constant 0 : index
    %get3A_17 = vector.load %arg5[%get3A_15, %get3A_16] : memref<1280x64xf32, #tpu.memory_space<vmem>>, vector<1280x64xf32>
    %concatenate3A = tpu.concatenate %get3A_14, %get3A_17 in 1 : vector<1280x64xf32>, vector<1280x64xf32> -> vector<1280x128xf32>
    %add3A_18 = arith.addf %add3A, %concatenate3A : vector<1280x128xf32>
    %tanh3A = math.tanh %add3A_18 : vector<1280x128xf32>
    %eq3A = arith.constant 0 : i32
    %eq3A_19 = arith.cmpi eq, %arg0, %eq3A : i32
    %slice3A_20 = vector.extract_strided_slice %tanh3A {offsets = [0, 0], sizes = [1280, 64], strides = [1, 1]} : vector<1280x128xf32> to vector<1280x64xf32>
    %slice3A_21 = vector.extract_strided_slice %tanh3A {offsets = [0, 64], sizes = [1280, 64], strides = [1, 1]} : vector<1280x128xf32> to vector<1280x64xf32>
    %select_n3A = arith.select %eq3A_19, %slice3A_20, %slice3A_21 : vector<1280x64xf32>
    %swap3A = arith.constant 0 : index
    %swap3A_22 = arith.constant 0 : index
    %swap3A_23 = vector.load %arg7[%swap3A, %swap3A_22] : memref<1280x64xf32, #tpu.memory_space<vmem>>, vector<1280x64xf32>
    tpu.vector_store %arg7[%swap3A, %swap3A_22], %select_n3A {strides = array<i32>} : memref<1280x64xf32, #tpu.memory_space<vmem>>, vector<1280x64xf32>,
    return
  }
  func.func @transform_0(%arg0: i32, %arg1: i32) -> (i32, i32) {
    %c0_i32 = arith.constant 0 : i32
    %c0_i32_0 = arith.constant 0 : i32
    return %arg1, %c0_i32 : i32, i32
  }
  func.func @transform_1(%arg0: i32, %arg1: i32) -> (i32, i32) {
    %add3A = arith.constant 8 : i32
    %add3A_0 = arith.addi %add3A, %arg1 : i32
    %c0_i32 = arith.constant 0 : i32
    %c0_i32_1 = arith.constant 0 : i32
    return %add3A_0, %c0_i32 : i32, i32
  }
  func.func @transform_2(%arg0: i32, %arg1: i32) -> (i32, i32) {
    %c0_i32 = arith.constant 0 : i32
    %c0_i32_0 = arith.constant 0 : i32
    return %arg1, %c0_i32 : i32, i32
  }
  func.func @transform_3(%arg0: i32, %arg1: i32) -> (i32, i32) {
    %add3A = arith.constant 8 : i32
    %add3A_0 = arith.addi %add3A, %arg1 : i32
    %c0_i32 = arith.constant 0 : i32
    %c0_i32_1 = arith.constant 0 : i32
    return %add3A_0, %c0_i32 : i32, i32
  }
  func.func @transform_4(%arg0: i32, %arg1: i32) -> (i32, i32) {
    %c0_i32 = arith.constant 0 : i32
    %c0_i32_0 = arith.constant 0 : i32
    %c0_i32_1 = arith.constant 0 : i32
    return %c0_i32, %c0_i32_0 : i32, i32
  }
  func.func @transform_5(%arg0: i32, %arg1: i32) -> (i32, i32) {
    %mul3A = arith.constant 8 : i32
    %mul3A_0 = arith.muli %arg0, %mul3A : i32
    %add3A = arith.addi %mul3A_0, %arg1 : i32
    %c0_i32 = arith.constant 0 : i32
    %c0_i32_1 = arith.constant 0 : i32
    return %add3A, %c0_i32 : i32, i32
  }
}

module attributes {stable_mosaic.version = 14 : i64} {
  func.func @body(%arg0: i32, %arg1: memref<1280x64xf32, #tpu.memory_space<vmem>>, %arg2: memref<1280x64xf32, #tpu.memory_space<vmem>>, %arg3: memref<1280x64xf32, #tpu.memory_space<vmem>>, %arg4: memref<1280x64xf32, #tpu.memory_space<vmem>>, %arg5: memref<128x128xf32, #tpu.memory_space<vmem>>, %arg6: memref<10x1x128xi32, #tpu.memory_space<vmem>>, %arg7: memref<64x128xf32, #tpu.memory_space<vmem>>, %arg8: memref<64x128xf32, #tpu.memory_space<vmem>>, %arg9: memref<64x128xf32, #tpu.memory_space<vmem>>) attributes {dimension_semantics = [#tpu.dimension_semantics<arbitrary>], iteration_bounds = array<i64: 8>, scalar_prefetch = 0 : i64, scratch_operands = 2 : i64, tpu.core_type = #tpu.core_type<tc>, window_params = [{transform_indices = @transform_0, window_bounds = array<i64: 1280, 64>}, {transform_indices = @transform_1, window_bounds = array<i64: 1280, 64>}, {transform_indices = @transform_2, window_bounds = array<i64: 1280, 64>}, {transform_indices = @transform_3, window_bounds = array<i64: 1280, 64>}, {pipeline_mode = #tpu.pipeline_mode<synchronous>, transform_indices = @transform_4, window_bounds = array<i64: 128, 128>}, {transform_indices = @transform_5, window_bounds = array<i64: 10, 1, 128>}, {pipeline_mode = #tpu.pipeline_mode<synchronous>, transform_indices = @transform_6, window_bounds = array<i64: 64, 128>}]} {
    %eq3A = arith.constant 0 : i32
    %eq3A_0 = arith.cmpi eq, %arg0, %eq3A : i32
    %convert_element_type3A = arith.extui %eq3A_0 : i1 to i32
    %cond3A = arith.constant 0 : i32
    %cond3A_1 = arith.cmpi ne, %convert_element_type3A, %cond3A : i32
    scf.if %cond3A_1 {
      %broadcast_in_dim3A_232 = arith.constant 0.000000e+00 : f32
      %broadcast_in_dim3A_233 = vector.broadcast %broadcast_in_dim3A_232 : f32 to vector<64x128xf32>
      %swap3A_234 = arith.constant 0 : index
      %swap3A_235 = arith.constant 0 : index
      %swap3A_236 = vector.load %arg8[%swap3A_234, %swap3A_235] : memref<64x128xf32, #tpu.memory_space<vmem>>, vector<64x128xf32>
      tpu.vector_store %arg8[%swap3A_234, %swap3A_235], %broadcast_in_dim3A_233 {strides = array<i32>} : memref<64x128xf32, #tpu.memory_space<vmem>>, vector<64x128xf32>,
      %broadcast_in_dim3A_237 = arith.constant 0.000000e+00 : f32
      %broadcast_in_dim3A_238 = vector.broadcast %broadcast_in_dim3A_237 : f32 to vector<64x128xf32>
      %swap3A_239 = arith.constant 0 : index
      %swap3A_240 = arith.constant 0 : index
      %swap3A_241 = vector.load %arg9[%swap3A_239, %swap3A_240] : memref<64x128xf32, #tpu.memory_space<vmem>>, vector<64x128xf32>
      tpu.vector_store %arg9[%swap3A_239, %swap3A_240], %broadcast_in_dim3A_238 {strides = array<i32>} : memref<64x128xf32, #tpu.memory_space<vmem>>, vector<64x128xf32>,
    } else {
    }
    %get3A = arith.constant 0 : index
    %get3A_2 = arith.constant 0 : index
    %get3A_3 = vector.load %arg5[%get3A, %get3A_2] : memref<128x128xf32, #tpu.memory_space<vmem>>, vector<128x128xf32>
    %get3A_4 = arith.constant 0 : index
    %get3A_5 = arith.constant 0 : index
    %get3A_6 = vector.load %arg1[%get3A_4, %get3A_5] : memref<1280x64xf32, #tpu.memory_space<vmem>>, vector<1280x64xf32>
    %slice3A = vector.extract_strided_slice %get3A_3 {offsets = [0, 0], sizes = [128, 64], strides = [1, 1]} : vector<128x128xf32> to vector<128x64xf32>
    %dot_general3A = arith.constant dense<0.000000e+00> : vector<1280x128xf32>
    %dot_general3A_7 = tpu.matmul %get3A_6, %slice3A, %dot_general3A {dimension_numbers = #tpu.dot_dimension_numbers<[1], [1], [0], [0], [0, 0, 1, 0], [], []>, transpose_lhs_hint = false} : vector<1280x64xf32>, vector<128x64xf32>, vector<1280x128xf32> -> vector<1280x128xf32>
    %get3A_8 = arith.constant 0 : index
    %get3A_9 = arith.constant 0 : index
    %get3A_10 = vector.load %arg2[%get3A_8, %get3A_9] : memref<1280x64xf32, #tpu.memory_space<vmem>>, vector<1280x64xf32>
    %slice3A_11 = vector.extract_strided_slice %get3A_3 {offsets = [0, 64], sizes = [128, 64], strides = [1, 1]} : vector<128x128xf32> to vector<128x64xf32>
    %dot_general3A_12 = arith.constant dense<0.000000e+00> : vector<1280x128xf32>
    %dot_general3A_13 = tpu.matmul %get3A_10, %slice3A_11, %dot_general3A_12 {dimension_numbers = #tpu.dot_dimension_numbers<[1], [1], [0], [0], [0, 0, 1, 0], [], []>, transpose_lhs_hint = false} : vector<1280x64xf32>, vector<128x64xf32>, vector<1280x128xf32> -> vector<1280x128xf32>
    %add3A = arith.addf %dot_general3A_7, %dot_general3A_13 : vector<1280x128xf32>
    %get3A_14 = arith.constant 0 : index
    %get3A_15 = arith.constant 0 : index
    %get3A_16 = vector.load %arg3[%get3A_14, %get3A_15] : memref<1280x64xf32, #tpu.memory_space<vmem>>, vector<1280x64xf32>
    %get3A_17 = arith.constant 0 : index
    %get3A_18 = arith.constant 0 : index
    %get3A_19 = vector.load %arg4[%get3A_17, %get3A_18] : memref<1280x64xf32, #tpu.memory_space<vmem>>, vector<1280x64xf32>
    %concatenate3A = tpu.concatenate %get3A_16, %get3A_19 in 1 : vector<1280x64xf32>, vector<1280x64xf32> -> vector<1280x128xf32>
    %add3A_20 = arith.addf %add3A, %concatenate3A : vector<1280x128xf32>
    %tanh3A = math.tanh %add3A_20 : vector<1280x128xf32>
    %broadcast_in_dim3A = arith.constant 0.000000e+00 : f32
    %broadcast_in_dim3A_21 = vector.broadcast %broadcast_in_dim3A : f32 to vector<64x128xf32>
    %broadcast_in_dim3A_22 = arith.constant 0.000000e+00 : f32
    %broadcast_in_dim3A_23 = vector.broadcast %broadcast_in_dim3A_22 : f32 to vector<64x128xf32>
    %broadcast_in_dim3A_24 = arith.constant 1.000000e+00 : f32
    %broadcast_in_dim3A_25 = vector.broadcast %broadcast_in_dim3A_24 : f32 to vector<128x128xf32>
    %get3A_26 = arith.constant 0 : index
    %get3A_27 = arith.constant 0 : index
    %get3A_28 = arith.constant 0 : index
    %get3A_29 = vector.load %arg6[%get3A_26, %get3A_27, %get3A_28] : memref<10x1x128xi32, #tpu.memory_space<vmem>>, vector<10x1x128xi32>
    %slice3A_30 = vector.extract_strided_slice %get3A_29 {offsets = [0, 0, 0], sizes = [1, 1, 128], strides = [1, 1, 1]} : vector<10x1x128xi32> to vector<1x1x128xi32>
    %squeeze3A = vector.shape_cast %slice3A_30 : vector<1x1x128xi32> to vector<1x128xi32>
    %iota3A = tpu.iota {dimensions = array<i32: 0>} : vector<64x128xi32>
    %broadcast_in_dim3A_31 = vector.shape_cast %squeeze3A : vector<1x128xi32> to vector<1x128xi32>
    %broadcast_in_dim3A_32 = vector.broadcast %broadcast_in_dim3A_31 : vector<1x128xi32> to vector<64x128xi32>
    %eq3A_33 = arith.cmpi eq, %iota3A, %broadcast_in_dim3A_32 : vector<64x128xi32>
    %convert_element_type3A_34 = arith.extui %eq3A_33 : vector<64x128xi1> to vector<64x128xi32>
    %convert_element_type3A_35 = arith.sitofp %convert_element_type3A_34 : vector<64x128xi32> to vector<64x128xf32>
    %slice3A_36 = vector.extract_strided_slice %tanh3A {offsets = [0, 0], sizes = [128, 128], strides = [1, 1]} : vector<1280x128xf32> to vector<128x128xf32>
    %dot_general3A_37 = arith.constant dense<0.000000e+00> : vector<64x128xf32>
    %dot_general3A_38 = tpu.matmul %convert_element_type3A_35, %slice3A_36, %dot_general3A_37 {dimension_numbers = #tpu.dot_dimension_numbers<[1], [0], [0], [1], [0, 0, 1, 1], [], []>, transpose_lhs_hint = false} : vector<64x128xf32>, vector<128x128xf32>, vector<64x128xf32> -> vector<64x128xf32>
    %add3A_39 = arith.addf %broadcast_in_dim3A_21, %dot_general3A_38 : vector<64x128xf32>
    %dot_general3A_40 = arith.constant dense<0.000000e+00> : vector<64x128xf32>
    %dot_general3A_41 = tpu.matmul %convert_element_type3A_35, %broadcast_in_dim3A_25, %dot_general3A_40 {dimension_numbers = #tpu.dot_dimension_numbers<[1], [0], [0], [1], [0, 0, 1, 1], [], []>, transpose_lhs_hint = false} : vector<64x128xf32>, vector<128x128xf32>, vector<64x128xf32> -> vector<64x128xf32>
    %add3A_42 = arith.addf %broadcast_in_dim3A_23, %dot_general3A_41 : vector<64x128xf32>
    %get3A_43 = arith.constant 0 : index
    %get3A_44 = arith.constant 0 : index
    %get3A_45 = arith.constant 0 : index
    %get3A_46 = vector.load %arg6[%get3A_43, %get3A_44, %get3A_45] : memref<10x1x128xi32, #tpu.memory_space<vmem>>, vector<10x1x128xi32>
    %slice3A_47 = vector.extract_strided_slice %get3A_46 {offsets = [1, 0, 0], sizes = [1, 1, 128], strides = [1, 1, 1]} : vector<10x1x128xi32> to vector<1x1x128xi32>
    %squeeze3A_48 = vector.shape_cast %slice3A_47 : vector<1x1x128xi32> to vector<1x128xi32>
    %iota3A_49 = tpu.iota {dimensions = array<i32: 0>} : vector<64x128xi32>
    %broadcast_in_dim3A_50 = vector.shape_cast %squeeze3A_48 : vector<1x128xi32> to vector<1x128xi32>
    %broadcast_in_dim3A_51 = vector.broadcast %broadcast_in_dim3A_50 : vector<1x128xi32> to vector<64x128xi32>
    %eq3A_52 = arith.cmpi eq, %iota3A_49, %broadcast_in_dim3A_51 : vector<64x128xi32>
    %convert_element_type3A_53 = arith.extui %eq3A_52 : vector<64x128xi1> to vector<64x128xi32>
    %convert_element_type3A_54 = arith.sitofp %convert_element_type3A_53 : vector<64x128xi32> to vector<64x128xf32>
    %slice3A_55 = vector.extract_strided_slice %tanh3A {offsets = [128, 0], sizes = [128, 128], strides = [1, 1]} : vector<1280x128xf32> to vector<128x128xf32>
    %dot_general3A_56 = arith.constant dense<0.000000e+00> : vector<64x128xf32>
    %dot_general3A_57 = tpu.matmul %convert_element_type3A_54, %slice3A_55, %dot_general3A_56 {dimension_numbers = #tpu.dot_dimension_numbers<[1], [0], [0], [1], [0, 0, 1, 1], [], []>, transpose_lhs_hint = false} : vector<64x128xf32>, vector<128x128xf32>, vector<64x128xf32> -> vector<64x128xf32>
    %add3A_58 = arith.addf %add3A_39, %dot_general3A_57 : vector<64x128xf32>
    %dot_general3A_59 = arith.constant dense<0.000000e+00> : vector<64x128xf32>
    %dot_general3A_60 = tpu.matmul %convert_element_type3A_54, %broadcast_in_dim3A_25, %dot_general3A_59 {dimension_numbers = #tpu.dot_dimension_numbers<[1], [0], [0], [1], [0, 0, 1, 1], [], []>, transpose_lhs_hint = false} : vector<64x128xf32>, vector<128x128xf32>, vector<64x128xf32> -> vector<64x128xf32>
    %add3A_61 = arith.addf %add3A_42, %dot_general3A_60 : vector<64x128xf32>
    %get3A_62 = arith.constant 0 : index
    %get3A_63 = arith.constant 0 : index
    %get3A_64 = arith.constant 0 : index
    %get3A_65 = vector.load %arg6[%get3A_62, %get3A_63, %get3A_64] : memref<10x1x128xi32, #tpu.memory_space<vmem>>, vector<10x1x128xi32>
    %slice3A_66 = vector.extract_strided_slice %get3A_65 {offsets = [2, 0, 0], sizes = [1, 1, 128], strides = [1, 1, 1]} : vector<10x1x128xi32> to vector<1x1x128xi32>
    %squeeze3A_67 = vector.shape_cast %slice3A_66 : vector<1x1x128xi32> to vector<1x128xi32>
    %iota3A_68 = tpu.iota {dimensions = array<i32: 0>} : vector<64x128xi32>
    %broadcast_in_dim3A_69 = vector.shape_cast %squeeze3A_67 : vector<1x128xi32> to vector<1x128xi32>
    %broadcast_in_dim3A_70 = vector.broadcast %broadcast_in_dim3A_69 : vector<1x128xi32> to vector<64x128xi32>
    %eq3A_71 = arith.cmpi eq, %iota3A_68, %broadcast_in_dim3A_70 : vector<64x128xi32>
    %convert_element_type3A_72 = arith.extui %eq3A_71 : vector<64x128xi1> to vector<64x128xi32>
    %convert_element_type3A_73 = arith.sitofp %convert_element_type3A_72 : vector<64x128xi32> to vector<64x128xf32>
    %slice3A_74 = vector.extract_strided_slice %tanh3A {offsets = [256, 0], sizes = [128, 128], strides = [1, 1]} : vector<1280x128xf32> to vector<128x128xf32>
    %dot_general3A_75 = arith.constant dense<0.000000e+00> : vector<64x128xf32>
    %dot_general3A_76 = tpu.matmul %convert_element_type3A_73, %slice3A_74, %dot_general3A_75 {dimension_numbers = #tpu.dot_dimension_numbers<[1], [0], [0], [1], [0, 0, 1, 1], [], []>, transpose_lhs_hint = false} : vector<64x128xf32>, vector<128x128xf32>, vector<64x128xf32> -> vector<64x128xf32>
    %add3A_77 = arith.addf %add3A_58, %dot_general3A_76 : vector<64x128xf32>
    %dot_general3A_78 = arith.constant dense<0.000000e+00> : vector<64x128xf32>
    %dot_general3A_79 = tpu.matmul %convert_element_type3A_73, %broadcast_in_dim3A_25, %dot_general3A_78 {dimension_numbers = #tpu.dot_dimension_numbers<[1], [0], [0], [1], [0, 0, 1, 1], [], []>, transpose_lhs_hint = false} : vector<64x128xf32>, vector<128x128xf32>, vector<64x128xf32> -> vector<64x128xf32>
    %add3A_80 = arith.addf %add3A_61, %dot_general3A_79 : vector<64x128xf32>
    %get3A_81 = arith.constant 0 : index
    %get3A_82 = arith.constant 0 : index
    %get3A_83 = arith.constant 0 : index
    %get3A_84 = vector.load %arg6[%get3A_81, %get3A_82, %get3A_83] : memref<10x1x128xi32, #tpu.memory_space<vmem>>, vector<10x1x128xi32>
    %slice3A_85 = vector.extract_strided_slice %get3A_84 {offsets = [3, 0, 0], sizes = [1, 1, 128], strides = [1, 1, 1]} : vector<10x1x128xi32> to vector<1x1x128xi32>
    %squeeze3A_86 = vector.shape_cast %slice3A_85 : vector<1x1x128xi32> to vector<1x128xi32>
    %iota3A_87 = tpu.iota {dimensions = array<i32: 0>} : vector<64x128xi32>
    %broadcast_in_dim3A_88 = vector.shape_cast %squeeze3A_86 : vector<1x128xi32> to vector<1x128xi32>
    %broadcast_in_dim3A_89 = vector.broadcast %broadcast_in_dim3A_88 : vector<1x128xi32> to vector<64x128xi32>
    %eq3A_90 = arith.cmpi eq, %iota3A_87, %broadcast_in_dim3A_89 : vector<64x128xi32>
    %convert_element_type3A_91 = arith.extui %eq3A_90 : vector<64x128xi1> to vector<64x128xi32>
    %convert_element_type3A_92 = arith.sitofp %convert_element_type3A_91 : vector<64x128xi32> to vector<64x128xf32>
    %slice3A_93 = vector.extract_strided_slice %tanh3A {offsets = [384, 0], sizes = [128, 128], strides = [1, 1]} : vector<1280x128xf32> to vector<128x128xf32>
    %dot_general3A_94 = arith.constant dense<0.000000e+00> : vector<64x128xf32>
    %dot_general3A_95 = tpu.matmul %convert_element_type3A_92, %slice3A_93, %dot_general3A_94 {dimension_numbers = #tpu.dot_dimension_numbers<[1], [0], [0], [1], [0, 0, 1, 1], [], []>, transpose_lhs_hint = false} : vector<64x128xf32>, vector<128x128xf32>, vector<64x128xf32> -> vector<64x128xf32>
    %add3A_96 = arith.addf %add3A_77, %dot_general3A_95 : vector<64x128xf32>
    %dot_general3A_97 = arith.constant dense<0.000000e+00> : vector<64x128xf32>
    %dot_general3A_98 = tpu.matmul %convert_element_type3A_92, %broadcast_in_dim3A_25, %dot_general3A_97 {dimension_numbers = #tpu.dot_dimension_numbers<[1], [0], [0], [1], [0, 0, 1, 1], [], []>, transpose_lhs_hint = false} : vector<64x128xf32>, vector<128x128xf32>, vector<64x128xf32> -> vector<64x128xf32>
    %add3A_99 = arith.addf %add3A_80, %dot_general3A_98 : vector<64x128xf32>
    %get3A_100 = arith.constant 0 : index
    %get3A_101 = arith.constant 0 : index
    %get3A_102 = arith.constant 0 : index
    %get3A_103 = vector.load %arg6[%get3A_100, %get3A_101, %get3A_102] : memref<10x1x128xi32, #tpu.memory_space<vmem>>, vector<10x1x128xi32>
    %slice3A_104 = vector.extract_strided_slice %get3A_103 {offsets = [4, 0, 0], sizes = [1, 1, 128], strides = [1, 1, 1]} : vector<10x1x128xi32> to vector<1x1x128xi32>
    %squeeze3A_105 = vector.shape_cast %slice3A_104 : vector<1x1x128xi32> to vector<1x128xi32>
    %iota3A_106 = tpu.iota {dimensions = array<i32: 0>} : vector<64x128xi32>
    %broadcast_in_dim3A_107 = vector.shape_cast %squeeze3A_105 : vector<1x128xi32> to vector<1x128xi32>
    %broadcast_in_dim3A_108 = vector.broadcast %broadcast_in_dim3A_107 : vector<1x128xi32> to vector<64x128xi32>
    %eq3A_109 = arith.cmpi eq, %iota3A_106, %broadcast_in_dim3A_108 : vector<64x128xi32>
    %convert_element_type3A_110 = arith.extui %eq3A_109 : vector<64x128xi1> to vector<64x128xi32>
    %convert_element_type3A_111 = arith.sitofp %convert_element_type3A_110 : vector<64x128xi32> to vector<64x128xf32>
    %slice3A_112 = vector.extract_strided_slice %tanh3A {offsets = [512, 0], sizes = [128, 128], strides = [1, 1]} : vector<1280x128xf32> to vector<128x128xf32>
    %dot_general3A_113 = arith.constant dense<0.000000e+00> : vector<64x128xf32>
    %dot_general3A_114 = tpu.matmul %convert_element_type3A_111, %slice3A_112, %dot_general3A_113 {dimension_numbers = #tpu.dot_dimension_numbers<[1], [0], [0], [1], [0, 0, 1, 1], [], []>, transpose_lhs_hint = false} : vector<64x128xf32>, vector<128x128xf32>, vector<64x128xf32> -> vector<64x128xf32>
    %add3A_115 = arith.addf %add3A_96, %dot_general3A_114 : vector<64x128xf32>
    %dot_general3A_116 = arith.constant dense<0.000000e+00> : vector<64x128xf32>
    %dot_general3A_117 = tpu.matmul %convert_element_type3A_111, %broadcast_in_dim3A_25, %dot_general3A_116 {dimension_numbers = #tpu.dot_dimension_numbers<[1], [0], [0], [1], [0, 0, 1, 1], [], []>, transpose_lhs_hint = false} : vector<64x128xf32>, vector<128x128xf32>, vector<64x128xf32> -> vector<64x128xf32>
    %add3A_118 = arith.addf %add3A_99, %dot_general3A_117 : vector<64x128xf32>
    %get3A_119 = arith.constant 0 : index
    %get3A_120 = arith.constant 0 : index
    %get3A_121 = arith.constant 0 : index
    %get3A_122 = vector.load %arg6[%get3A_119, %get3A_120, %get3A_121] : memref<10x1x128xi32, #tpu.memory_space<vmem>>, vector<10x1x128xi32>
    %slice3A_123 = vector.extract_strided_slice %get3A_122 {offsets = [5, 0, 0], sizes = [1, 1, 128], strides = [1, 1, 1]} : vector<10x1x128xi32> to vector<1x1x128xi32>
    %squeeze3A_124 = vector.shape_cast %slice3A_123 : vector<1x1x128xi32> to vector<1x128xi32>
    %iota3A_125 = tpu.iota {dimensions = array<i32: 0>} : vector<64x128xi32>
    %broadcast_in_dim3A_126 = vector.shape_cast %squeeze3A_124 : vector<1x128xi32> to vector<1x128xi32>
    %broadcast_in_dim3A_127 = vector.broadcast %broadcast_in_dim3A_126 : vector<1x128xi32> to vector<64x128xi32>
    %eq3A_128 = arith.cmpi eq, %iota3A_125, %broadcast_in_dim3A_127 : vector<64x128xi32>
    %convert_element_type3A_129 = arith.extui %eq3A_128 : vector<64x128xi1> to vector<64x128xi32>
    %convert_element_type3A_130 = arith.sitofp %convert_element_type3A_129 : vector<64x128xi32> to vector<64x128xf32>
    %slice3A_131 = vector.extract_strided_slice %tanh3A {offsets = [640, 0], sizes = [128, 128], strides = [1, 1]} : vector<1280x128xf32> to vector<128x128xf32>
    %dot_general3A_132 = arith.constant dense<0.000000e+00> : vector<64x128xf32>
    %dot_general3A_133 = tpu.matmul %convert_element_type3A_130, %slice3A_131, %dot_general3A_132 {dimension_numbers = #tpu.dot_dimension_numbers<[1], [0], [0], [1], [0, 0, 1, 1], [], []>, transpose_lhs_hint = false} : vector<64x128xf32>, vector<128x128xf32>, vector<64x128xf32> -> vector<64x128xf32>
    %add3A_134 = arith.addf %add3A_115, %dot_general3A_133 : vector<64x128xf32>
    %dot_general3A_135 = arith.constant dense<0.000000e+00> : vector<64x128xf32>
    %dot_general3A_136 = tpu.matmul %convert_element_type3A_130, %broadcast_in_dim3A_25, %dot_general3A_135 {dimension_numbers = #tpu.dot_dimension_numbers<[1], [0], [0], [1], [0, 0, 1, 1], [], []>, transpose_lhs_hint = false} : vector<64x128xf32>, vector<128x128xf32>, vector<64x128xf32> -> vector<64x128xf32>
    %add3A_137 = arith.addf %add3A_118, %dot_general3A_136 : vector<64x128xf32>
    %get3A_138 = arith.constant 0 : index
    %get3A_139 = arith.constant 0 : index
    %get3A_140 = arith.constant 0 : index
    %get3A_141 = vector.load %arg6[%get3A_138, %get3A_139, %get3A_140] : memref<10x1x128xi32, #tpu.memory_space<vmem>>, vector<10x1x128xi32>
    %slice3A_142 = vector.extract_strided_slice %get3A_141 {offsets = [6, 0, 0], sizes = [1, 1, 128], strides = [1, 1, 1]} : vector<10x1x128xi32> to vector<1x1x128xi32>
    %squeeze3A_143 = vector.shape_cast %slice3A_142 : vector<1x1x128xi32> to vector<1x128xi32>
    %iota3A_144 = tpu.iota {dimensions = array<i32: 0>} : vector<64x128xi32>
    %broadcast_in_dim3A_145 = vector.shape_cast %squeeze3A_143 : vector<1x128xi32> to vector<1x128xi32>
    %broadcast_in_dim3A_146 = vector.broadcast %broadcast_in_dim3A_145 : vector<1x128xi32> to vector<64x128xi32>
    %eq3A_147 = arith.cmpi eq, %iota3A_144, %broadcast_in_dim3A_146 : vector<64x128xi32>
    %convert_element_type3A_148 = arith.extui %eq3A_147 : vector<64x128xi1> to vector<64x128xi32>
    %convert_element_type3A_149 = arith.sitofp %convert_element_type3A_148 : vector<64x128xi32> to vector<64x128xf32>
    %slice3A_150 = vector.extract_strided_slice %tanh3A {offsets = [768, 0], sizes = [128, 128], strides = [1, 1]} : vector<1280x128xf32> to vector<128x128xf32>
    %dot_general3A_151 = arith.constant dense<0.000000e+00> : vector<64x128xf32>
    %dot_general3A_152 = tpu.matmul %convert_element_type3A_149, %slice3A_150, %dot_general3A_151 {dimension_numbers = #tpu.dot_dimension_numbers<[1], [0], [0], [1], [0, 0, 1, 1], [], []>, transpose_lhs_hint = false} : vector<64x128xf32>, vector<128x128xf32>, vector<64x128xf32> -> vector<64x128xf32>
    %add3A_153 = arith.addf %add3A_134, %dot_general3A_152 : vector<64x128xf32>
    %dot_general3A_154 = arith.constant dense<0.000000e+00> : vector<64x128xf32>
    %dot_general3A_155 = tpu.matmul %convert_element_type3A_149, %broadcast_in_dim3A_25, %dot_general3A_154 {dimension_numbers = #tpu.dot_dimension_numbers<[1], [0], [0], [1], [0, 0, 1, 1], [], []>, transpose_lhs_hint = false} : vector<64x128xf32>, vector<128x128xf32>, vector<64x128xf32> -> vector<64x128xf32>
    %add3A_156 = arith.addf %add3A_137, %dot_general3A_155 : vector<64x128xf32>
    %get3A_157 = arith.constant 0 : index
    %get3A_158 = arith.constant 0 : index
    %get3A_159 = arith.constant 0 : index
    %get3A_160 = vector.load %arg6[%get3A_157, %get3A_158, %get3A_159] : memref<10x1x128xi32, #tpu.memory_space<vmem>>, vector<10x1x128xi32>
    %slice3A_161 = vector.extract_strided_slice %get3A_160 {offsets = [7, 0, 0], sizes = [1, 1, 128], strides = [1, 1, 1]} : vector<10x1x128xi32> to vector<1x1x128xi32>
    %squeeze3A_162 = vector.shape_cast %slice3A_161 : vector<1x1x128xi32> to vector<1x128xi32>
    %iota3A_163 = tpu.iota {dimensions = array<i32: 0>} : vector<64x128xi32>
    %broadcast_in_dim3A_164 = vector.shape_cast %squeeze3A_162 : vector<1x128xi32> to vector<1x128xi32>
    %broadcast_in_dim3A_165 = vector.broadcast %broadcast_in_dim3A_164 : vector<1x128xi32> to vector<64x128xi32>
    %eq3A_166 = arith.cmpi eq, %iota3A_163, %broadcast_in_dim3A_165 : vector<64x128xi32>
    %convert_element_type3A_167 = arith.extui %eq3A_166 : vector<64x128xi1> to vector<64x128xi32>
    %convert_element_type3A_168 = arith.sitofp %convert_element_type3A_167 : vector<64x128xi32> to vector<64x128xf32>
    %slice3A_169 = vector.extract_strided_slice %tanh3A {offsets = [896, 0], sizes = [128, 128], strides = [1, 1]} : vector<1280x128xf32> to vector<128x128xf32>
    %dot_general3A_170 = arith.constant dense<0.000000e+00> : vector<64x128xf32>
    %dot_general3A_171 = tpu.matmul %convert_element_type3A_168, %slice3A_169, %dot_general3A_170 {dimension_numbers = #tpu.dot_dimension_numbers<[1], [0], [0], [1], [0, 0, 1, 1], [], []>, transpose_lhs_hint = false} : vector<64x128xf32>, vector<128x128xf32>, vector<64x128xf32> -> vector<64x128xf32>
    %add3A_172 = arith.addf %add3A_153, %dot_general3A_171 : vector<64x128xf32>
    %dot_general3A_173 = arith.constant dense<0.000000e+00> : vector<64x128xf32>
    %dot_general3A_174 = tpu.matmul %convert_element_type3A_168, %broadcast_in_dim3A_25, %dot_general3A_173 {dimension_numbers = #tpu.dot_dimension_numbers<[1], [0], [0], [1], [0, 0, 1, 1], [], []>, transpose_lhs_hint = false} : vector<64x128xf32>, vector<128x128xf32>, vector<64x128xf32> -> vector<64x128xf32>
    %add3A_175 = arith.addf %add3A_156, %dot_general3A_174 : vector<64x128xf32>
    %get3A_176 = arith.constant 0 : index
    %get3A_177 = arith.constant 0 : index
    %get3A_178 = arith.constant 0 : index
    %get3A_179 = vector.load %arg6[%get3A_176, %get3A_177, %get3A_178] : memref<10x1x128xi32, #tpu.memory_space<vmem>>, vector<10x1x128xi32>
    %slice3A_180 = vector.extract_strided_slice %get3A_179 {offsets = [8, 0, 0], sizes = [1, 1, 128], strides = [1, 1, 1]} : vector<10x1x128xi32> to vector<1x1x128xi32>
    %squeeze3A_181 = vector.shape_cast %slice3A_180 : vector<1x1x128xi32> to vector<1x128xi32>
    %iota3A_182 = tpu.iota {dimensions = array<i32: 0>} : vector<64x128xi32>
    %broadcast_in_dim3A_183 = vector.shape_cast %squeeze3A_181 : vector<1x128xi32> to vector<1x128xi32>
    %broadcast_in_dim3A_184 = vector.broadcast %broadcast_in_dim3A_183 : vector<1x128xi32> to vector<64x128xi32>
    %eq3A_185 = arith.cmpi eq, %iota3A_182, %broadcast_in_dim3A_184 : vector<64x128xi32>
    %convert_element_type3A_186 = arith.extui %eq3A_185 : vector<64x128xi1> to vector<64x128xi32>
    %convert_element_type3A_187 = arith.sitofp %convert_element_type3A_186 : vector<64x128xi32> to vector<64x128xf32>
    %slice3A_188 = vector.extract_strided_slice %tanh3A {offsets = [1024, 0], sizes = [128, 128], strides = [1, 1]} : vector<1280x128xf32> to vector<128x128xf32>
    %dot_general3A_189 = arith.constant dense<0.000000e+00> : vector<64x128xf32>
    %dot_general3A_190 = tpu.matmul %convert_element_type3A_187, %slice3A_188, %dot_general3A_189 {dimension_numbers = #tpu.dot_dimension_numbers<[1], [0], [0], [1], [0, 0, 1, 1], [], []>, transpose_lhs_hint = false} : vector<64x128xf32>, vector<128x128xf32>, vector<64x128xf32> -> vector<64x128xf32>
    %add3A_191 = arith.addf %add3A_172, %dot_general3A_190 : vector<64x128xf32>
    %dot_general3A_192 = arith.constant dense<0.000000e+00> : vector<64x128xf32>
    %dot_general3A_193 = tpu.matmul %convert_element_type3A_187, %broadcast_in_dim3A_25, %dot_general3A_192 {dimension_numbers = #tpu.dot_dimension_numbers<[1], [0], [0], [1], [0, 0, 1, 1], [], []>, transpose_lhs_hint = false} : vector<64x128xf32>, vector<128x128xf32>, vector<64x128xf32> -> vector<64x128xf32>
    %add3A_194 = arith.addf %add3A_175, %dot_general3A_193 : vector<64x128xf32>
    %get3A_195 = arith.constant 0 : index
    %get3A_196 = arith.constant 0 : index
    %get3A_197 = arith.constant 0 : index
    %get3A_198 = vector.load %arg6[%get3A_195, %get3A_196, %get3A_197] : memref<10x1x128xi32, #tpu.memory_space<vmem>>, vector<10x1x128xi32>
    %slice3A_199 = vector.extract_strided_slice %get3A_198 {offsets = [9, 0, 0], sizes = [1, 1, 128], strides = [1, 1, 1]} : vector<10x1x128xi32> to vector<1x1x128xi32>
    %squeeze3A_200 = vector.shape_cast %slice3A_199 : vector<1x1x128xi32> to vector<1x128xi32>
    %iota3A_201 = tpu.iota {dimensions = array<i32: 0>} : vector<64x128xi32>
    %broadcast_in_dim3A_202 = vector.shape_cast %squeeze3A_200 : vector<1x128xi32> to vector<1x128xi32>
    %broadcast_in_dim3A_203 = vector.broadcast %broadcast_in_dim3A_202 : vector<1x128xi32> to vector<64x128xi32>
    %eq3A_204 = arith.cmpi eq, %iota3A_201, %broadcast_in_dim3A_203 : vector<64x128xi32>
    %convert_element_type3A_205 = arith.extui %eq3A_204 : vector<64x128xi1> to vector<64x128xi32>
    %convert_element_type3A_206 = arith.sitofp %convert_element_type3A_205 : vector<64x128xi32> to vector<64x128xf32>
    %slice3A_207 = vector.extract_strided_slice %tanh3A {offsets = [1152, 0], sizes = [128, 128], strides = [1, 1]} : vector<1280x128xf32> to vector<128x128xf32>
    %dot_general3A_208 = arith.constant dense<0.000000e+00> : vector<64x128xf32>
    %dot_general3A_209 = tpu.matmul %convert_element_type3A_206, %slice3A_207, %dot_general3A_208 {dimension_numbers = #tpu.dot_dimension_numbers<[1], [0], [0], [1], [0, 0, 1, 1], [], []>, transpose_lhs_hint = false} : vector<64x128xf32>, vector<128x128xf32>, vector<64x128xf32> -> vector<64x128xf32>
    %add3A_210 = arith.addf %add3A_191, %dot_general3A_209 : vector<64x128xf32>
    %dot_general3A_211 = arith.constant dense<0.000000e+00> : vector<64x128xf32>
    %dot_general3A_212 = tpu.matmul %convert_element_type3A_206, %broadcast_in_dim3A_25, %dot_general3A_211 {dimension_numbers = #tpu.dot_dimension_numbers<[1], [0], [0], [1], [0, 0, 1, 1], [], []>, transpose_lhs_hint = false} : vector<64x128xf32>, vector<128x128xf32>, vector<64x128xf32> -> vector<64x128xf32>
    %add3A_213 = arith.addf %add3A_194, %dot_general3A_212 : vector<64x128xf32>
    %get3A_214 = arith.constant 0 : index
    %get3A_215 = arith.constant 0 : index
    %get3A_216 = vector.load %arg8[%get3A_214, %get3A_215] : memref<64x128xf32, #tpu.memory_space<vmem>>, vector<64x128xf32>
    %add3A_217 = arith.addf %get3A_216, %add3A_210 : vector<64x128xf32>
    %swap3A = arith.constant 0 : index
    %swap3A_218 = arith.constant 0 : index
    %swap3A_219 = vector.load %arg8[%swap3A, %swap3A_218] : memref<64x128xf32, #tpu.memory_space<vmem>>, vector<64x128xf32>
    tpu.vector_store %arg8[%swap3A, %swap3A_218], %add3A_217 {strides = array<i32>} : memref<64x128xf32, #tpu.memory_space<vmem>>, vector<64x128xf32>,
    %get3A_220 = arith.constant 0 : index
    %get3A_221 = arith.constant 0 : index
    %get3A_222 = vector.load %arg9[%get3A_220, %get3A_221] : memref<64x128xf32, #tpu.memory_space<vmem>>, vector<64x128xf32>
    %add3A_223 = arith.addf %get3A_222, %add3A_213 : vector<64x128xf32>
    %swap3A_224 = arith.constant 0 : index
    %swap3A_225 = arith.constant 0 : index
    %swap3A_226 = vector.load %arg9[%swap3A_224, %swap3A_225] : memref<64x128xf32, #tpu.memory_space<vmem>>, vector<64x128xf32>
    tpu.vector_store %arg9[%swap3A_224, %swap3A_225], %add3A_223 {strides = array<i32>} : memref<64x128xf32, #tpu.memory_space<vmem>>, vector<64x128xf32>,
    %eq3A_227 = arith.constant 7 : i32
    %eq3A_228 = arith.cmpi eq, %arg0, %eq3A_227 : i32
    %convert_element_type3A_229 = arith.extui %eq3A_228 : i1 to i32
    %cond3A_230 = arith.constant 0 : i32
    %cond3A_231 = arith.cmpi ne, %convert_element_type3A_229, %cond3A_230 : i32
    scf.if %cond3A_231 {
      %get3A_232 = arith.constant 0 : index
      %get3A_233 = arith.constant 0 : index
      %get3A_234 = vector.load %arg8[%get3A_232, %get3A_233] : memref<64x128xf32, #tpu.memory_space<vmem>>, vector<64x128xf32>
      %get3A_235 = arith.constant 0 : index
      %get3A_236 = arith.constant 0 : index
      %get3A_237 = vector.load %arg9[%get3A_235, %get3A_236] : memref<64x128xf32, #tpu.memory_space<vmem>>, vector<64x128xf32>
      %max3A = arith.constant 1.000000e+00 : f32
      %max3A_238 = vector.broadcast %max3A : f32 to vector<64x128xf32>
      %max3A_239 = arith.maximumf %get3A_237, %max3A_238 : vector<64x128xf32>
      %div3A = arith.divf %get3A_234, %max3A_239 : vector<64x128xf32>
      %swap3A_240 = arith.constant 0 : index
      %swap3A_241 = arith.constant 0 : index
      %swap3A_242 = vector.load %arg7[%swap3A_240, %swap3A_241] : memref<64x128xf32, #tpu.memory_space<vmem>>, vector<64x128xf32>
      tpu.vector_store %arg7[%swap3A_240, %swap3A_241], %div3A {strides = array<i32>} : memref<64x128xf32, #tpu.memory_space<vmem>>, vector<64x128xf32>,
    } else {
    }
    return
  }
  func.func @transform_0(%arg0: i32) -> (i32, i32) {
    %c0_i32 = arith.constant 0 : i32
    %c0_i32_0 = arith.constant 0 : i32
    return %arg0, %c0_i32 : i32, i32
  }
  func.func @transform_1(%arg0: i32) -> (i32, i32) {
    %add3A = arith.constant 8 : i32
    %add3A_0 = arith.addi %add3A, %arg0 : i32
    %c0_i32 = arith.constant 0 : i32
    %c0_i32_1 = arith.constant 0 : i32
    return %add3A_0, %c0_i32 : i32, i32
  }
  func.func @transform_2(%arg0: i32) -> (i32, i32) {
    %c0_i32 = arith.constant 0 : i32
    %c0_i32_0 = arith.constant 0 : i32
    return %arg0, %c0_i32 : i32, i32
  }
  func.func @transform_3(%arg0: i32) -> (i32, i32) {
    %add3A = arith.constant 8 : i32
    %add3A_0 = arith.addi %add3A, %arg0 : i32
    %c0_i32 = arith.constant 0 : i32
    %c0_i32_1 = arith.constant 0 : i32
    return %add3A_0, %c0_i32 : i32, i32
  }
  func.func @transform_4(%arg0: i32) -> (i32, i32) {
    %c0_i32 = arith.constant 0 : i32
    %c0_i32_0 = arith.constant 0 : i32
    %c0_i32_1 = arith.constant 0 : i32
    return %c0_i32, %c0_i32_0 : i32, i32
  }
  func.func @transform_5(%arg0: i32) -> (i32, i32, i32) {
    %c0_i32 = arith.constant 0 : i32
    %c0_i32_0 = arith.constant 0 : i32
    %c0_i32_1 = arith.constant 0 : i32
    return %arg0, %c0_i32, %c0_i32_0 : i32, i32, i32
  }
  func.func @transform_6(%arg0: i32) -> (i32, i32) {
    %c0_i32 = arith.constant 0 : i32
    %c0_i32_0 = arith.constant 0 : i32
    %c0_i32_1 = arith.constant 0 : i32
    return %c0_i32, %c0_i32_0 : i32, i32
  }
}

</mosaic_0001>

<sc_bundles>
// kernel: kernel.11.cloned.1.call-start
scs
__scs_entry_jumppad:
0x0: {  	(pc) =	sbr.rel $0x88, $3  }
0x1: {  	(tag) =	ssettag $0x0;
	lr =	simm.s32 $0x1  }
0x2: {  	[smem:$0x3F98] =	sst lr;
	_ =	strace $0xD0000000  }
0x3: {  	_ = 	snop  }
0x4: {  	_ = 	snop  }
0x5: {  	_ = 	snop  }
0x6: {  	_ = 	snop  }
0x7: {  	_ = 	snop  }
__scs_overlays_trampoline_lowered:
0x8: {  	[smem:$0x3FA7] =	sst s0  }
0x9: {  	[smem:$0x3FA8] =	sst s1  }
0xa: {  	[smem:$0x3FA9] =	sst s2  }
0xb: {  	[smem:$0x3FAA] =	sst s3  }
0xc: {  	[smem:$0x3FAB] =	sst s4  }
0xd: {  	[smem:$0x3FAC] =	sst s5  }
0xe: {  	[smem:$0x3FAD] =	sst s6  }
0xf: {  	[smem:$0x3FAE] =	sst s7  }
0x10: {  	[smem:$0x3FAF] =	sst s8  }
0x11: {  	[smem:$0x3FB0] =	sst s9;
	s0 =	simm.s32 @!p0 $0x0  }
0x12: {  	s1 =	sld [smem:$0x3F96];
	s0 =	simm.s32 @p0 $0x1  }
0x13: {  	[smem:$0x3FB1] =	sst s0;
	s0 =	simm.s32 @!p1 $0x0  }
0x14: {  	s2 =	sld [smem:$0x3F95];
	s0 =	simm.s32 @p1 $0x1  }
0x15: {  	[smem:$0x3FB2] =	sst s0;
	s0 =	simm.s32 @!p2 $0x0  }
0x16: {  	s3 =	sld [smem:$0x3FDB];
	s0 =	simm.s32 @p2 $0x1  }
0x17: {  	s4 =	simm.s32 $0x1BF5;
	[smem:$0x3FB4] =	sst s0  }
0x18: {  	s0 =	sld [smem:$0x3F97];
	_ =	swait.ge [sflag:s4], $0x0  }
0x19: {  	s7 =	sld [smem:$0x3F98]  }
0x1a: {  	s8 =	sadd.s32 $0xFFFFE003, lr  }
0x1b: {  	s9 =	sadd.s32 $0xFFFFFEF7, lr;
	s5 =	simm.s32 $0xFFFFFFFF;
	p2 =	slt.u32 s8, $0xFFFFF086  }
0x1c: {  	p1 =	slt.u32 s9, $0xF7A;
	s5 =	simm.s32 @!p2 $0x0  }
0x1d: {  	s5 =	simm.s32 @p1 $0x1;
	p0 =	seq.s32 s7, s2  }
0x1e: {  	s7 =	smul.u32 @!p0 $0xF7A, s2;
	p2 =	seq.s32 @!p0 s5, $0x0  }
0x1f: {  	s9 =	smul.u32 $0xF7A, s1;
	s8 =	simm.s32 @!p0 $0x1BF5;
	p2 =	por !p2, p0  }
0x20: {  	[sflag:s8] =	ssyncset.s32 @!p0 $0xFFFFF086;
	s6 =	sadd.s32 @!p0 s3, s7;
	s7 =	simm.s32 @!p0 $0x108  }
0x21: {  	s3 =	sadd.s32 s3, s9;
	s6 =	sadd.s32 @!p0 $0x88, s6;
	s7 =	simm.s32 @p2 $0x1082  }
0x22: {  	[simem:s7], [sflag:s8] =	dma.local @!p0 [hbm:s6], $0xF7A  }
0x23: {  	s9 =	sor.u32 $0xD0000000, s2;
	s6 =	simm.s32 $0x108;
	_ =	swait.ge @!p0 [sflag:s8], $0x0  }
0x24: {  	s3 =	sadd.s32 $0x88, s3;
	s6 =	simm.s32 @!p1 $0x1082;
	[sflag:s4] =	ssyncset.s32 $0xFFFFF086  }
0x25: {  	[simem:s6], [sflag:s4] =	dma.local [hbm:s3], $0xF7A  }
0x26: {  	[smem:$0x3F98] =	sst s1;
	(tag) =	ssettag s2;
	_ =	strace s9  }
0x27: {  	s1 =	sld [smem:$0x3FA8]  }
0x28: {  	s2 =	sld [smem:$0x3FA9]  }
0x29: {  	s4 =	sld [smem:$0x3FAB]  }
0x2a: {  	p0 =	seq.s32 s5, $0x0;
	s5 =	sld [smem:$0x3FAC]  }
0x2b: {  	s6 =	sld [smem:$0x3FAD]  }
0x2c: {  	s7 =	sld [smem:$0x3FAE]  }
0x2d: {  	s3 =	simm.s32 $0x108;
	s8 =	sld [smem:$0x3FAF]  }
0x2e: {  	s3 =	simm.s32 @!p0 $0x1082;
	s9 =	sld [smem:$0x3FB0]  }
0x2f: {  	lr =	sadd.s32 s0, s3;
	s0 =	sld [smem:$0x3FA7]  }
0x30: {  	s3 =	sld [smem:$0x3FAA]  }
0x31: {  	[smem:$0x3FB3] =	sst s10  }
0x32: {  	s10 =	sld [smem:$0x3FB1];
	_ =	sdelay $0x3  }
0x33: {  	p0 =	seq.s32 s10, $0x1;
	s10 =	sld [smem:$0x3FB3];
	_ =	sdelay $0x3  }
0x34: {  	[smem:$0x3FB3] =	sst s10  }
0x35: {  	s10 =	sld [smem:$0x3FB2];
	_ =	sdelay $0x3  }
0x36: {  	p1 =	seq.s32 s10, $0x1;
	s10 =	sld [smem:$0x3FB3];
	_ =	sdelay $0x3  }
0x37: {  	[smem:$0x3FB3] =	sst s10  }
0x38: {  	s10 =	sld [smem:$0x3FB4]  }
0x39: {  	_ = 	snop;
	(pc) =	sbr.ind lr, $3  }
0x3a: {  	_ = 	snop  }
0x3b: {  	_ = 	snop  }
0x3c: {  	p2 =	seq.s32 s10, $0x1;
	s10 =	sld [smem:$0x3FB3]  }
0x3d: {  	_ =	shalt  }
0x3e: {  	_ =	shalt  }
0x3f: {  	_ =	shalt  }
0x40: {  	_ =	shalt  }
0x41: {  	_ =	shalt  }
0x42: {  	_ =	shalt  }
0x43: {  	_ =	shalt  }
0x44: {  	_ =	shalt  }
0x45: {  	_ =	shalt  }
0x46: {  	_ =	shalt  }
0x47: {  	_ =	shalt  }
0x48: {  	_ =	shalt  }
0x49: {  	_ =	shalt  }
0x4a: {  	_ =	shalt  }
0x4b: {  	_ =	shalt  }
0x4c: {  	_ =	shalt  }
0x4d: {  	_ =	shalt  }
0x4e: {  	_ =	shalt  }
0x4f: {  	_ =	shalt  }
0x50: {  	_ =	shalt  }
0x51: {  	_ =	shalt  }
0x52: {  	_ =	shalt  }
0x53: {  	_ =	shalt  }
0x54: {  	_ =	shalt  }
0x55: {  	_ =	shalt  }
0x56: {  	_ =	shalt  }
0x57: {  	_ =	shalt  }
0x58: {  	_ =	shalt  }
0x59: {  	_ =	shalt  }
0x5a: {  	_ =	shalt  }
0x5b: {  	_ =	shalt  }
0x5c: {  	_ =	shalt  }
0x5d: {  	_ =	shalt  }
0x5e: {  	_ =	shalt  }
0x5f: {  	_ =	shalt  }
0x60: {  	_ =	shalt  }
0x61: {  	_ =	shalt  }
0x62: {  	_ =	shalt  }
0x63: {  	_ =	shalt  }
0x64: {  	_ =	shalt  }
0x65: {  	_ =	shalt  }
0x66: {  	_ =	shalt  }
0x67: {  	_ =	shalt  }
0x68: {  	_ =	shalt  }
0x69: {  	_ =	shalt  }
0x6a: {  	_ =	shalt  }
0x6b: {  	_ =	shalt  }
0x6c: {  	_ =	shalt  }
0x6d: {  	_ =	shalt  }
0x6e: {  	_ =	shalt  }
0x6f: {  	_ =	shalt  }
0x70: {  	_ =	shalt  }
0x71: {  	_ =	shalt  }
0x72: {  	_ =	shalt  }
0x73: {  	_ =	shalt  }
0x74: {  	_ =	shalt  }
0x75: {  	_ =	shalt  }
0x76: {  	_ =	shalt  }
0x77: {  	_ =	shalt  }
0x78: {  	_ =	shalt  }
0x79: {  	_ =	shalt  }
0x7a: {  	_ =	shalt  }
0x7b: {  	_ =	shalt  }
0x7c: {  	_ =	shalt  }
0x7d: {  	_ =	shalt  }
0x7e: {  	_ =	shalt  }
0x7f: {  	_ =	shalt  }
0x80: {  	_ =	shalt  }
0x81: {  	_ =	shalt  }
0x82: {  	_ =	shalt  }
0x83: {  	_ =	shalt  }
0x84: {  	_ =	shalt  }
0x85: {  	_ =	shalt  }
0x86: {  	_ =	shalt  }
0x87: {  	_ =	shalt  }
.Lfunc_end0:
.L_simem_size_0:
called_computation.1_lowered:
.L_overlay_start_0:
0x88: {  	s2 =	sld [smem:$0x3FD9]  }
0x89: {  	s3 =	sld [smem:$0x3FFE];
	_ =	sdelay $0x1  }
0x8a: {  	s1 =	srdreg.scid  }
0x8b: {  	s0 =	sand.u32 $0x1, s1  }
0x8c: {  	s16 =	sshll.u32 s0, $0xA;
	s2 =	sadd.s32 s3, s2  }
0x8d: {  	s2 =	sadd.s32 s2, s16  }
0x8e: {  	[smem:$0x3FBF] =	sst s2  }
0x8f: {  	_ = 	snop  }
0x90: {  	(tm) =	ssettm $0x1  }
0x91: {  	s17 =	sld [smem:$0x3FFB];
	_ =	sdelay $0x3  }
0x92: {  	_ =	strace s17  }
0x93: {  	s2 =	sld [smem:$0x3FFC];
	_ =	sdelay $0x3  }
0x94: {  	_ =	strace s2  }
0x95: {  	s2 =	sld [smem:$0x3FFD];
	_ =	sdelay $0x3  }
0x96: {  	_ =	strace s2  }
0x97: {  	_ =	strace $0x8FFFFFFF  }
0x98: {  	s18 =	sld [smem:$0x3FDB];
	_ =	sdelay $0x1  }
0x99: {  	s19 =	simm.s32 $_scs_section_size  }
0x9a: {  	s4 =	simm.s32 $_size__tile_overlayer_lowered;
	s5 =	simm.s32 $_tile_overlayer_lowered  }
0x9b: {  	s22 =	simm.s32 $0x1BFF;
	s21 =	sshll.u32 s5, $0x1;
	s2 =	sadd.s32 s19, s18  }
0x9c: {  	s6 =	simm.s32 $0x0;
	s20 =	sshll.u32 s4, $0x1;
	s4 =	sadd.s32 s21, s2  }
0x9d: {  	[timem:s6], [sflag:s22] =	dma.local [hbm:s4], s20  }
0x9e: {  	_ =	swait.ge [sflag:s22], s20  }
0x9f: {  	s3 =	ssub.s32 $0x0, s20;
	[sflag:s22] =	ssyncset.done $0x0  }
0xa0: {  	[sflag:s22] =	ssyncadd.s32 s3;
	_ =	sdelay $0x1  }
0xa1: {  	s23 =	simm.s32 $0x1B8B  }
0xa2: {  	_ =	swait.ge [sflag:s23], $0x1  }
0xa3: {  	[sflag:s23] =	ssyncset.done $0x0  }
0xa4: {  	s25 =	simm.s32 $0x1B8E;
	s24 =	sld [smem:$0x3FFE];
	[sflag:s23] =	ssyncadd.s32 $0xFFFFFFFF  }
0xa5: {  	s26 =	simm.s32 $execute0_lowered;
	[smem:$0x3FD2] =	sst s25  }
0xa6: {  	s4 =	sshll.u32 s26, $0x1;
	_ =	strace $0x80000049;
	[dreg:$0x1] =	wrdreg $0xFFFFFFFF  }
0xa7: {  	s28 =	simm.s32 $_size_execute0_lowered;
	s2 =	sadd.s32 s2, s4;
	[dreg:$0x0] =	wrdreg $0x0  }
0xa8: {  	s4 =	sshll.u32 s28, $0x1;
	[dreg:$0x2] =	wrdreg s2  }
0xa9: {  	[dreg:$0x3] =	wrdreg s4  }
0xaa: {  	[dreg:$0x4] =	wrdreg $0xC0  }
0xab: {  	_ =	task [dreg:s6], $0x5FFFF  }
0xac: {  	[dreg:$0x1] =	wrdreg $0xFFFFFFFF  }
0xad: {  	[dreg:$0x0] =	wrdreg $0x60  }
0xae: {  	[dreg:$0x2] =	wrdreg s24  }
0xaf: {  	[dreg:$0x3] =	wrdreg $0x120000  }
0xb0: {  	[dreg:$0x4] =	wrdreg $0x9  }
0xb1: {  	_ =	task.clear_ibuf [dreg:s6], $0x5FFFF;
	_ =	strace $0x90000049  }
0xb2: {  	s29 =	simm.s32 $0x9;
	_ =	strace $0x8000004B  }
0xb3: {  	_ =	swait.ge [sflag:s29], $0x1  }
0xb4: {  	[sflag:s29] =	ssyncadd.s32 $0xFFFFFFFF  }
0xb5: {  	_ =	strace $0x9000004B  }
0xb6: {  	_ =	sfence  }
0xb7: {  	s30 =	sld [smem:$0x0];
	_ =	sdelay $0x2  }
0xb8: {  	s31 =	sshll.u32 s1, $0xD;
	s1 =	sshrl.u32 s1, $0x2  }
0xb9: {  	s3 =	sand.u32 $0x4000, s31;
	s1 =	sadd.s32 s1, s30  }
0xba: {  	s0 =	sor.u32 s3, s0;
	s1 =	sshll.u32 s1, $0x11  }
0xbb: {  	s0 =	sor.u32 s1, s0  }
0xbc: {  	s0 =	sadd.s32 $0x8F2B, s0  }
0xbd: {  	[sflag:s0] =	ssyncadd.remote.s32 $0x1  }
0xbe: {  	_ =	sfence.sel $0xFFFF  }
0xbf: {  	[dreg:$0x0] =	wrdreg $0xFFFFFFFF;
	(pc) =	sbr.abs _section_cstart, $3  }
0xc0: {  	[dreg:$0x1] =	wrdreg $0xFFFFFFFF  }
0xc1: {  	_ =	task.clear_ibuf [dreg:s6], $0x2FFFF;
	_ =	strace $0x9FFFFFFF  }
0xc2: {  	(tm) =	ssettm $0x7FFFFFFF  }
0xc3: {  	_ =	shalt  }
tec
execute0_lowered:
.L_overlay_start_1:
0x0: {  	(tag) =	ssettag $0x1  }
0x1: {  	s0 =	rddreg [dreg:$0x0]  }
0x2: {  	s1 =	srdreg.scid;
	s2 =	rddreg [dreg:$0x1]  }
0x3: {  	s24 =	stileid.u32;
	s3 =	simm.s32 $0x0;
	s14 =	simm.s32 $0x80  }
0x4: {  	s15 =	simm.s32 $0xA000;
	s16 =	simm.s32 $0xC000;
	s17 =	simm.s32 $0x100  }
0x5: {  	s18 =	simm.s32 $0xE000;
	s19 =	simm.s32 $0x180;
	s20 =	simm.s32 $0x10000  }
0x6: {  	s21 =	simm.s32 $0x3;
	s22 =	simm.s32 $0x4;
	s23 =	simm.s32 $0x1  }
0x7: {  	s28 =	simm.s32 $0x9F00;
	s29 =	simm.s32 $0x9F80;
	s7 =	smul.u32 $0xA00, s24  }
0x8: {  	s30 =	simm.s32 $0x0;
	s5 =	sand.u32 $0x1, s1;
	s8 =	smul.u32 $0xA000, s24  }
0x9: {  	[smem:$0x7FF] =	sst s3;
	s9 =	smul.u32 $0x1400, s24;
	s4 =	sadd.s32 $0x16A00, s0  }
0xa: {  	s31 =	sshll.u32 s24, $0x6;
	s24 =	simm.s32 $0x2;
	s6 =	smul.u32 $0xA000, s5  }
0xb: {  	_ =	strace $0x8000004A;
	s10 =	smul.u32 $0x14000, s5;
	s5 =	ssub.s32 $0x2, s5  }
0xc: {  	s12 =	sor.u32 $0x1C05, s31;
	s11 =	sshrl.u32 s8, $0x3;
	s25 =	sshrl.u32 s5, $0x1  }
0xd: {  	s13 =	sadd.s32 s8, s2;
	s6 =	sadd.s32 s7, s6;
	s7 =	sadd.s32 s7, s0  }
0xe: {  	s9 =	sadd.s32 s9, s10;
	s11 =	sadd.s32 s11, s0;
	s26 =	ssub.s32 s5, s25  }
0xf: {  	s10 =	simm.s32 $0x5;
	s13 =	sshrl.u32 s13, $0x3;
	s25 =	simm.s32 $0x9E00  }
0x10: {  	s6 =	sadd.s32 s6, s0;
	s0 =	sadd.s32 s9, s0;
	s9 =	smax.u32 s26, $0x1  }
0x11: {  	s26 =	simm.s32 $0x9E80;
	s5 =	sadd.s32 $0x2A00, s6;
	s6 =	sadd.s32 $0x3EA00, s7  }
0x12: {  	s7 =	sadd.s32 $0x48A00, s11;
	s8 =	sadd.s32 $0x5CA00, s0;
	s11 =	simm.s32 $0x5000  }
.LBB2_1:
0x13: {  	[tilespmem:s3], [sflag:$0x5] =	stream.linear.gather [hbm4b:s5+s3], $0x5000, $0x38;
	[tilespmem:$0x1C000] =	vst v63  }
0x14: {  	_ =	swait.ge [sflag:s10], $0x5000  }
0x15: {  	[sflag:s10] =	ssyncset.done $0x0  }
0x16: {  	[sflag:s10] =	ssyncadd.s32 $0xFFFFB000  }
0x17: {  	[tilespmem:s11], [sflag:$0x5] =	stream.linear.gather [hbm4b:s6+s3], $0x5000, $0x38;
	[tilespmem:$0x1C000] =	vst v63  }
0x18: {  	_ =	swait.ge [sflag:s10], $0x5000  }
0x19: {  	[sflag:s10] =	ssyncset.done $0x0  }
0x1a: {  	[sflag:s10] =	ssyncadd.s32 $0xFFFFB000  }
0x1b: {  	[spmem:s13], [sflag:s12] =	dma.local [hbm:s7], $0x1400  }
0x1c: {  	_ =	swait.ge [sflag:s10], $0x1400  }
0x1d: {  	[sflag:s10] =	ssyncset.done $0x0  }
0x1e: {  	[sflag:s10] =	ssyncadd.s32 $0xFFFFEC00  }
0x1f: {  	[bflag:$0x0] =	sbarrier.arrive $0xFFFF  }
0x20: {  	[tilespmem:s15], [sflag:$0x3] =	stream.indirect.gather [hbm4b:s4+s14], $0x40, s3, s14, $0xb8;
	[tilespmem:$0x1C000] =	vst v63  }
0x21: {  	_ = 	snop  }
0x22: {  	[tilespmem:s16], [sflag:$0x4] =	stream.indirect.gather [hbm4b:s4+s14], $0x40, s14, s14, $0xb8;
	[tilespmem:$0x1C000] =	vst v63  }
0x23: {  	_ = 	snop  }
0x24: {  	[tilespmem:s18], [sflag:$0x1] =	stream.indirect.gather [hbm4b:s4+s14], $0x40, s17, s14, $0xb8;
	[tilespmem:$0x1C000] =	vst v63  }
0x25: {  	_ = 	snop  }
0x26: {  	[tilespmem:s20], [sflag:$0x2] =	stream.indirect.gather [hbm4b:s4+s14], $0x40, s19, s14, $0xb8;
	[tilespmem:$0x1C000] =	vst v63  }
0x27: {  	_ =	swait.ge [sflag:s21], $0x2000  }
0x28: {  	[sflag:s21] =	ssyncset.done $0x0  }
0x29: {  	s0 =	simm.s32 $0x5000;
	[sflag:s21] =	ssyncadd.s32 $0xFFFFE000  }
0x2a: {  	[spmem:s2] =	stream.indirect.scatter.add.f32 [tilespmem:s15], [sflag:$0x5], $0x40, s0, s14, $0xb8;
	[tilespmem:$0x1C000] =	vst v63  }
0x2b: {  	_ =	swait.ge [sflag:s10], $0x2000  }
0x2c: {  	[sflag:s10] =	ssyncset.done $0x0  }
0x2d: {  	s1 =	simm.s32 $0x200;
	[sflag:s10] =	ssyncadd.s32 $0xFFFFE000  }
0x2e: {  	[tilespmem:s15], [sflag:$0x3] =	stream.indirect.gather [hbm4b:s4+s14], $0x40, s1, s14, $0xb8;
	[tilespmem:$0x1C000] =	vst v63  }
0x2f: {  	_ =	swait.ge [sflag:s22], $0x2000  }
0x30: {  	[sflag:s22] =	ssyncset.done $0x0  }
0x31: {  	s1 =	simm.s32 $0x5080;
	[sflag:s22] =	ssyncadd.s32 $0xFFFFE000  }
0x32: {  	[spmem:s2] =	stream.indirect.scatter.add.f32 [tilespmem:s16], [sflag:$0x5], $0x40, s1, s14, $0xb8;
	[tilespmem:$0x1C000] =	vst v63  }
0x33: {  	_ =	swait.ge [sflag:s10], $0x2000  }
0x34: {  	[sflag:s10] =	ssyncset.done $0x0  }
0x35: {  	s1 =	simm.s32 $0x280;
	[sflag:s10] =	ssyncadd.s32 $0xFFFFE000  }
0x36: {  	[tilespmem:s16], [sflag:$0x4] =	stream.indirect.gather [hbm4b:s4+s14], $0x40, s1, s14, $0xb8;
	[tilespmem:$0x1C000] =	vst v63  }
0x37: {  	_ =	swait.ge [sflag:s23], $0x2000  }
0x38: {  	[sflag:s23] =	ssyncset.done $0x0  }
0x39: {  	s1 =	simm.s32 $0x5100;
	[sflag:s23] =	ssyncadd.s32 $0xFFFFE000  }
0x3a: {  	[spmem:s2] =	stream.indirect.scatter.add.f32 [tilespmem:s18], [sflag:$0x5], $0x40, s1, s14, $0xb8;
	[tilespmem:$0x1C000] =	vst v63  }
0x3b: {  	_ =	swait.ge [sflag:s10], $0x2000  }
0x3c: {  	[sflag:s10] =	ssyncset.done $0x0  }
0x3d: {  	s1 =	simm.s32 $0x300;
	[sflag:s10] =	ssyncadd.s32 $0xFFFFE000  }
0x3e: {  	[tilespmem:s18], [sflag:$0x1] =	stream.indirect.gather [hbm4b:s4+s14], $0x40, s1, s14, $0xb8;
	[tilespmem:$0x1C000] =	vst v63  }
0x3f: {  	_ =	swait.ge [sflag:s24], $0x2000  }
0x40: {  	[sflag:s24] =	ssyncset.done $0x0  }
0x41: {  	s1 =	simm.s32 $0x5180;
	[sflag:s24] =	ssyncadd.s32 $0xFFFFE000  }
0x42: {  	[spmem:s2] =	stream.indirect.scatter.add.f32 [tilespmem:s20], [sflag:$0x5], $0x40, s1, s14, $0xb8;
	[tilespmem:$0x1C000] =	vst v63  }
0x43: {  	_ =	swait.ge [sflag:s10], $0x2000  }
0x44: {  	[sflag:s10] =	ssyncset.done $0x0  }
0x45: {  	s31 =	simm.s32 $0x800;
	s0 =	simm.s32 $0x380;
	[sflag:s10] =	ssyncadd.s32 $0xFFFFE000  }
.LBB2_2:
0x46: {  	[tilespmem:s20], [sflag:$0x2] =	stream.indirect.gather [hbm4b:s4+s14], $0x40, s0, s14, $0xb8;
	[tilespmem:$0x1C000] =	vst v63  }
0x47: {  	s0 =	smov.u32 s31  }
0x48: {  	p0 =	sne.s32 s31, $0x13000;
	s31 =	sadd.s32 $0x800, s31;
	_ =	swait.ge [sflag:s21], $0x2000  }
0x49: {  	s0 =	sshra.s32 s0, $0x2;
	[sflag:s21] =	ssyncset.done $0x0  }
0x4a: {  	s1 =	sadd.s32 $0x5000, s0;
	[sflag:s21] =	ssyncadd.s32 $0xFFFFE000  }
0x4b: {  	[spmem:s2] =	stream.indirect.scatter.add.f32 [tilespmem:s15], [sflag:$0x5], $0x40, s1, s14, $0xb8;
	[tilespmem:$0x1C000] =	vst v63  }
0x4c: {  	_ =	swait.ge [sflag:s10], $0x2000  }
0x4d: {  	[sflag:s10] =	ssyncset.done $0x0  }
0x4e: {  	s1 =	sadd.s32 $0x200, s0;
	[sflag:s10] =	ssyncadd.s32 $0xFFFFE000  }
0x4f: {  	[tilespmem:s15], [sflag:$0x3] =	stream.indirect.gather [hbm4b:s4+s14], $0x40, s1, s14, $0xb8;
	[tilespmem:$0x1C000] =	vst v63  }
0x50: {  	_ =	swait.ge [sflag:s22], $0x2000  }
0x51: {  	[sflag:s22] =	ssyncset.done $0x0  }
0x52: {  	s1 =	sadd.s32 $0x5080, s0;
	[sflag:s22] =	ssyncadd.s32 $0xFFFFE000  }
0x53: {  	[spmem:s2] =	stream.indirect.scatter.add.f32 [tilespmem:s16], [sflag:$0x5], $0x40, s1, s14, $0xb8;
	[tilespmem:$0x1C000] =	vst v63  }
0x54: {  	_ =	swait.ge [sflag:s10], $0x2000  }
0x55: {  	[sflag:s10] =	ssyncset.done $0x0  }
0x56: {  	s1 =	sadd.s32 $0x280, s0;
	[sflag:s10] =	ssyncadd.s32 $0xFFFFE000  }
0x57: {  	[tilespmem:s16], [sflag:$0x4] =	stream.indirect.gather [hbm4b:s4+s14], $0x40, s1, s14, $0xb8;
	[tilespmem:$0x1C000] =	vst v63  }
0x58: {  	_ =	swait.ge [sflag:s23], $0x2000  }
0x59: {  	[sflag:s23] =	ssyncset.done $0x0  }
0x5a: {  	s1 =	sadd.s32 $0x5100, s0;
	[sflag:s23] =	ssyncadd.s32 $0xFFFFE000  }
0x5b: {  	[spmem:s2] =	stream.indirect.scatter.add.f32 [tilespmem:s18], [sflag:$0x5], $0x40, s1, s14, $0xb8;
	[tilespmem:$0x1C000] =	vst v63  }
0x5c: {  	_ =	swait.ge [sflag:s10], $0x2000  }
0x5d: {  	[sflag:s10] =	ssyncset.done $0x0  }
0x5e: {  	s1 =	sadd.s32 $0x300, s0;
	[sflag:s10] =	ssyncadd.s32 $0xFFFFE000  }
0x5f: {  	[tilespmem:s18], [sflag:$0x1] =	stream.indirect.gather [hbm4b:s4+s14], $0x40, s1, s14, $0xb8;
	[tilespmem:$0x1C000] =	vst v63  }
0x60: {  	_ =	swait.ge [sflag:s24], $0x2000  }
0x61: {  	[sflag:s24] =	ssyncset.done $0x0  }
.Ltmp0:
0x62: {  	s1 =	sadd.s32 $0x5180, s0;
	[sflag:s24] =	ssyncadd.s32 $0xFFFFE000;
	(pc) =	sbr.rel @p0 .LBB2_2-.Ltmp0, $4  }
0x63: {  	[spmem:s2] =	stream.indirect.scatter.add.f32 [tilespmem:s20], [sflag:$0x5], $0x40, s1, s14, $0xb8;
	[tilespmem:$0x1C000] =	vst v63  }
0x64: {  	_ =	swait.ge [sflag:s10], $0x2000  }
0x65: {  	[sflag:s10] =	ssyncset.done $0x0  }
0x66: {  	s0 =	sadd.s32 $0x380, s0;
	[sflag:s10] =	ssyncadd.s32 $0xFFFFE000  }
0x67: {  	[tilespmem:s20], [sflag:$0x2] =	stream.indirect.gather [hbm4b:s4+s14], $0x40, s0, s14, $0xb8;
	[tilespmem:$0x1C000] =	vst v63  }
0x68: {  	_ =	swait.ge [sflag:s21], $0x2000  }
0x69: {  	[sflag:s21] =	ssyncset.done $0x0  }
0x6a: {  	[sflag:s21] =	ssyncadd.s32 $0xFFFFE000  }
0x6b: {  	[spmem:s2] =	stream.indirect.scatter.add.f32 [tilespmem:s15], [sflag:$0x5], $0x40, s25, s14, $0xb8;
	[tilespmem:$0x1C000] =	vst v63  }
0x6c: {  	_ =	swait.ge [sflag:s10], $0x2000  }
0x6d: {  	[sflag:s10] =	ssyncset.done $0x0  }
0x6e: {  	[sflag:s10] =	ssyncadd.s32 $0xFFFFE000  }
0x6f: {  	_ =	swait.ge [sflag:s22], $0x2000  }
0x70: {  	[sflag:s22] =	ssyncset.done $0x0  }
0x71: {  	[sflag:s22] =	ssyncadd.s32 $0xFFFFE000  }
0x72: {  	[spmem:s2] =	stream.indirect.scatter.add.f32 [tilespmem:s16], [sflag:$0x5], $0x40, s26, s14, $0xb8;
	[tilespmem:$0x1C000] =	vst v63  }
0x73: {  	_ =	swait.ge [sflag:s10], $0x2000  }
0x74: {  	[sflag:s10] =	ssyncset.done $0x0  }
0x75: {  	[sflag:s10] =	ssyncadd.s32 $0xFFFFE000  }
0x76: {  	_ =	swait.ge [sflag:s23], $0x2000  }
0x77: {  	[sflag:s23] =	ssyncset.done $0x0  }
0x78: {  	[sflag:s23] =	ssyncadd.s32 $0xFFFFE000  }
0x79: {  	[spmem:s2] =	stream.indirect.scatter.add.f32 [tilespmem:s18], [sflag:$0x5], $0x40, s28, s14, $0xb8;
	[tilespmem:$0x1C000] =	vst v63  }
0x7a: {  	_ =	swait.ge [sflag:s10], $0x2000  }
0x7b: {  	[sflag:s10] =	ssyncset.done $0x0  }
0x7c: {  	[sflag:s10] =	ssyncadd.s32 $0xFFFFE000  }
0x7d: {  	_ =	swait.ge [sflag:s24], $0x2000  }
0x7e: {  	[sflag:s24] =	ssyncset.done $0x0  }
0x7f: {  	[sflag:s24] =	ssyncadd.s32 $0xFFFFE000  }
0x80: {  	[spmem:s2] =	stream.indirect.scatter.add.f32 [tilespmem:s20], [sflag:$0x5], $0x40, s29, s14, $0xb8;
	[tilespmem:$0x1C000] =	vst v63  }
0x81: {  	_ =	swait.ge [sflag:s10], $0x2000  }
0x82: {  	s30 =	sadd.s32 $0x1, s30;
	[sflag:s10] =	ssyncset.done $0x0  }
0x83: {  	p0 =	sne.s32 s30, s9;
	[sflag:s10] =	ssyncadd.s32 $0xFFFFE000  }
.Ltmp1:
0x84: {  	[bflag:$0x0] =	sbarrier.arrive $0xFFFF;
	(pc) =	sbr.rel @p0 .LBB2_1-.Ltmp1, $4  }
0x85: {  	[hbm:s8], [sflag:s12] =	dma.local [spmem:s13], $0x1400  }
0x86: {  	_ =	swait.ge [sflag:s10], $0x1400  }
0x87: {  	[sflag:s10] =	ssyncset.done $0x0  }
0x88: {  	[sflag:s10] =	ssyncadd.s32 $0xFFFFEC00  }
0x89: {  	_ =	sfence.sel $0x180000  }
0x8a: {  	[bflag:$0x0] =	sbarrier.arrive $0xFFFF  }
0x8b: {  	_ =	strace $0x9000004A  }
0x8c: {  	s0 =	stileid.u32;
	[bflag:$0x2] =	sbarrier.arrive $0xFFFF  }
0x8d: {  	p0 =	sne.s32 s0, $0x0;
	s0 =	rddreg [dreg:$0x2]  }
0x8e: {  	s0 =	sadd.s32 @!p0 $0x100000, s0  }
0x8f: {  	[sflag:s0] =	ssyncadd.tile.s32 @!p0 $0x1;
	_ =	shalt  }
.Lfunc_end2:
_tile_overlayer_lowered:
.L_overlay_start_2:
0x90: {  	(tag) =	ssettag $0x2  }
0x91: {  	s0 =	rddreg [dreg:$0x0];
	s2 =	stileid.u32  }
0x92: {  	s1 =	rddreg [dreg:$0x1];
	p0 =	sne.s32 s2, $0x0  }
0x93: {  	s3 =	rddreg [dreg:$0x2];
	[bflag:$0x3] =	sbarrier.arrive $0xFFFF;
	s2 =	simm.s32 @!p0 $0x1C05  }
0x94: {  	[timem:s3], [sflag:s2] =	dma.local @!p0 [hbm:s0], s1  }
0x95: {  	s0 =	simm.s32 @!p0 $0x5  }
0x96: {  	_ =	swait.ge @!p0 [sflag:s0], s1  }
0x97: {  	s1 =	ssub.s32 @!p0 $0x0, s1;
	[sflag:s0] =	ssyncset.done @!p0 $0x0  }
0x98: {  	[sflag:s0] =	ssyncadd.s32 @!p0 s1  }
0x99: {  	[bflag:$0x3] =	sbarrier.arrive $0xFFFF  }
0x9a: {  	_ =	shalt  }

// kernel: kernel.8.cloned.1.call-start
scs
__scs_entry_jumppad:
0x0: {  	(pc) =	sbr.rel $0x88, $3  }
0x1: {  	(tag) =	ssettag $0x0;
	lr =	simm.s32 $0x1  }
0x2: {  	[smem:$0x3F98] =	sst lr;
	_ =	strace $0xD0000000  }
0x3: {  	_ = 	snop  }
0x4: {  	_ = 	snop  }
0x5: {  	_ = 	snop  }
0x6: {  	_ = 	snop  }
0x7: {  	_ = 	snop  }
__scs_overlays_trampoline_lowered:
0x8: {  	[smem:$0x3FA7] =	sst s0  }
0x9: {  	[smem:$0x3FA8] =	sst s1  }
0xa: {  	[smem:$0x3FA9] =	sst s2  }
0xb: {  	[smem:$0x3FAA] =	sst s3  }
0xc: {  	[smem:$0x3FAB] =	sst s4  }
0xd: {  	[smem:$0x3FAC] =	sst s5  }
0xe: {  	[smem:$0x3FAD] =	sst s6  }
0xf: {  	[smem:$0x3FAE] =	sst s7  }
0x10: {  	[smem:$0x3FAF] =	sst s8  }
0x11: {  	[smem:$0x3FB0] =	sst s9;
	s0 =	simm.s32 @!p0 $0x0  }
0x12: {  	s1 =	sld [smem:$0x3F96];
	s0 =	simm.s32 @p0 $0x1  }
0x13: {  	[smem:$0x3FB1] =	sst s0;
	s0 =	simm.s32 @!p1 $0x0  }
0x14: {  	s2 =	sld [smem:$0x3F95];
	s0 =	simm.s32 @p1 $0x1  }
0x15: {  	[smem:$0x3FB2] =	sst s0;
	s0 =	simm.s32 @!p2 $0x0  }
0x16: {  	s3 =	sld [smem:$0x3FDB];
	s0 =	simm.s32 @p2 $0x1  }
0x17: {  	s4 =	simm.s32 $0x1BF5;
	[smem:$0x3FB4] =	sst s0  }
0x18: {  	s0 =	sld [smem:$0x3F97];
	_ =	swait.ge [sflag:s4], $0x0  }
0x19: {  	s7 =	sld [smem:$0x3F98]  }
0x1a: {  	s8 =	sadd.s32 $0xFFFFE003, lr  }
0x1b: {  	s9 =	sadd.s32 $0xFFFFFEF7, lr;
	s5 =	simm.s32 $0xFFFFFFFF;
	p2 =	slt.u32 s8, $0xFFFFF086  }
0x1c: {  	p1 =	slt.u32 s9, $0xF7A;
	s5 =	simm.s32 @!p2 $0x0  }
0x1d: {  	s5 =	simm.s32 @p1 $0x1;
	p0 =	seq.s32 s7, s2  }
0x1e: {  	s7 =	smul.u32 @!p0 $0xF7A, s2;
	p2 =	seq.s32 @!p0 s5, $0x0  }
0x1f: {  	s9 =	smul.u32 $0xF7A, s1;
	s8 =	simm.s32 @!p0 $0x1BF5;
	p2 =	por !p2, p0  }
0x20: {  	[sflag:s8] =	ssyncset.s32 @!p0 $0xFFFFF086;
	s6 =	sadd.s32 @!p0 s3, s7;
	s7 =	simm.s32 @!p0 $0x108  }
0x21: {  	s3 =	sadd.s32 s3, s9;
	s6 =	sadd.s32 @!p0 $0x88, s6;
	s7 =	simm.s32 @p2 $0x1082  }
0x22: {  	[simem:s7], [sflag:s8] =	dma.local @!p0 [hbm:s6], $0xF7A  }
0x23: {  	s9 =	sor.u32 $0xD0000000, s2;
	s6 =	simm.s32 $0x108;
	_ =	swait.ge @!p0 [sflag:s8], $0x0  }
0x24: {  	s3 =	sadd.s32 $0x88, s3;
	s6 =	simm.s32 @!p1 $0x1082;
	[sflag:s4] =	ssyncset.s32 $0xFFFFF086  }
0x25: {  	[simem:s6], [sflag:s4] =	dma.local [hbm:s3], $0xF7A  }
0x26: {  	[smem:$0x3F98] =	sst s1;
	(tag) =	ssettag s2;
	_ =	strace s9  }
0x27: {  	s1 =	sld [smem:$0x3FA8]  }
0x28: {  	s2 =	sld [smem:$0x3FA9]  }
0x29: {  	s4 =	sld [smem:$0x3FAB]  }
0x2a: {  	p0 =	seq.s32 s5, $0x0;
	s5 =	sld [smem:$0x3FAC]  }
0x2b: {  	s6 =	sld [smem:$0x3FAD]  }
0x2c: {  	s7 =	sld [smem:$0x3FAE]  }
0x2d: {  	s3 =	simm.s32 $0x108;
	s8 =	sld [smem:$0x3FAF]  }
0x2e: {  	s3 =	simm.s32 @!p0 $0x1082;
	s9 =	sld [smem:$0x3FB0]  }
0x2f: {  	lr =	sadd.s32 s0, s3;
	s0 =	sld [smem:$0x3FA7]  }
0x30: {  	s3 =	sld [smem:$0x3FAA]  }
0x31: {  	[smem:$0x3FB3] =	sst s10  }
0x32: {  	s10 =	sld [smem:$0x3FB1];
	_ =	sdelay $0x3  }
0x33: {  	p0 =	seq.s32 s10, $0x1;
	s10 =	sld [smem:$0x3FB3];
	_ =	sdelay $0x3  }
0x34: {  	[smem:$0x3FB3] =	sst s10  }
0x35: {  	s10 =	sld [smem:$0x3FB2];
	_ =	sdelay $0x3  }
0x36: {  	p1 =	seq.s32 s10, $0x1;
	s10 =	sld [smem:$0x3FB3];
	_ =	sdelay $0x3  }
0x37: {  	[smem:$0x3FB3] =	sst s10  }
0x38: {  	s10 =	sld [smem:$0x3FB4]  }
0x39: {  	_ = 	snop;
	(pc) =	sbr.ind lr, $3  }
0x3a: {  	_ = 	snop  }
0x3b: {  	_ = 	snop  }
0x3c: {  	p2 =	seq.s32 s10, $0x1;
	s10 =	sld [smem:$0x3FB3]  }
0x3d: {  	_ =	shalt  }
0x3e: {  	_ =	shalt  }
0x3f: {  	_ =	shalt  }
0x40: {  	_ =	shalt  }
0x41: {  	_ =	shalt  }
0x42: {  	_ =	shalt  }
0x43: {  	_ =	shalt  }
0x44: {  	_ =	shalt  }
0x45: {  	_ =	shalt  }
0x46: {  	_ =	shalt  }
0x47: {  	_ =	shalt  }
0x48: {  	_ =	shalt  }
0x49: {  	_ =	shalt  }
0x4a: {  	_ =	shalt  }
0x4b: {  	_ =	shalt  }
0x4c: {  	_ =	shalt  }
0x4d: {  	_ =	shalt  }
0x4e: {  	_ =	shalt  }
0x4f: {  	_ =	shalt  }
0x50: {  	_ =	shalt  }
0x51: {  	_ =	shalt  }
0x52: {  	_ =	shalt  }
0x53: {  	_ =	shalt  }
0x54: {  	_ =	shalt  }
0x55: {  	_ =	shalt  }
0x56: {  	_ =	shalt  }
0x57: {  	_ =	shalt  }
0x58: {  	_ =	shalt  }
0x59: {  	_ =	shalt  }
0x5a: {  	_ =	shalt  }
0x5b: {  	_ =	shalt  }
0x5c: {  	_ =	shalt  }
0x5d: {  	_ =	shalt  }
0x5e: {  	_ =	shalt  }
0x5f: {  	_ =	shalt  }
0x60: {  	_ =	shalt  }
0x61: {  	_ =	shalt  }
0x62: {  	_ =	shalt  }
0x63: {  	_ =	shalt  }
0x64: {  	_ =	shalt  }
0x65: {  	_ =	shalt  }
0x66: {  	_ =	shalt  }
0x67: {  	_ =	shalt  }
0x68: {  	_ =	shalt  }
0x69: {  	_ =	shalt  }
0x6a: {  	_ =	shalt  }
0x6b: {  	_ =	shalt  }
0x6c: {  	_ =	shalt  }
0x6d: {  	_ =	shalt  }
0x6e: {  	_ =	shalt  }
0x6f: {  	_ =	shalt  }
0x70: {  	_ =	shalt  }
0x71: {  	_ =	shalt  }
0x72: {  	_ =	shalt  }
0x73: {  	_ =	shalt  }
0x74: {  	_ =	shalt  }
0x75: {  	_ =	shalt  }
0x76: {  	_ =	shalt  }
0x77: {  	_ =	shalt  }
0x78: {  	_ =	shalt  }
0x79: {  	_ =	shalt  }
0x7a: {  	_ =	shalt  }
0x7b: {  	_ =	shalt  }
0x7c: {  	_ =	shalt  }
0x7d: {  	_ =	shalt  }
0x7e: {  	_ =	shalt  }
0x7f: {  	_ =	shalt  }
0x80: {  	_ =	shalt  }
0x81: {  	_ =	shalt  }
0x82: {  	_ =	shalt  }
0x83: {  	_ =	shalt  }
0x84: {  	_ =	shalt  }
0x85: {  	_ =	shalt  }
0x86: {  	_ =	shalt  }
0x87: {  	_ =	shalt  }
.Lfunc_end0:
.L_simem_size_0:
called_computation_lowered:
.L_overlay_start_0:
0x88: {  	s2 =	sld [smem:$0x3FD9]  }
0x89: {  	s3 =	sld [smem:$0x3FFE];
	_ =	sdelay $0x1  }
0x8a: {  	s1 =	srdreg.scid  }
0x8b: {  	s0 =	sand.u32 $0x1, s1  }
0x8c: {  	s16 =	sshll.u32 s0, $0xA;
	s2 =	sadd.s32 s3, s2  }
0x8d: {  	s2 =	sadd.s32 s2, s16  }
0x8e: {  	[smem:$0x3FBF] =	sst s2  }
0x8f: {  	_ = 	snop  }
0x90: {  	(tm) =	ssettm $0x1  }
0x91: {  	s17 =	sld [smem:$0x3FFB];
	_ =	sdelay $0x3  }
0x92: {  	_ =	strace s17  }
0x93: {  	s2 =	sld [smem:$0x3FFC];
	_ =	sdelay $0x3  }
0x94: {  	_ =	strace s2  }
0x95: {  	s2 =	sld [smem:$0x3FFD];
	_ =	sdelay $0x3  }
0x96: {  	_ =	strace s2  }
0x97: {  	_ =	strace $0x8FFFFFFF  }
0x98: {  	s18 =	sld [smem:$0x3FDB];
	_ =	sdelay $0x1  }
0x99: {  	s19 =	simm.s32 $_scs_section_size  }
0x9a: {  	s4 =	simm.s32 $_size__tile_overlayer_lowered;
	s5 =	simm.s32 $_tile_overlayer_lowered  }
0x9b: {  	s22 =	simm.s32 $0x1BFF;
	s21 =	sshll.u32 s5, $0x1;
	s2 =	sadd.s32 s19, s18  }
0x9c: {  	s6 =	simm.s32 $0x0;
	s20 =	sshll.u32 s4, $0x1;
	s4 =	sadd.s32 s21, s2  }
0x9d: {  	[timem:s6], [sflag:s22] =	dma.local [hbm:s4], s20  }
0x9e: {  	_ =	swait.ge [sflag:s22], s20  }
0x9f: {  	s3 =	ssub.s32 $0x0, s20;
	[sflag:s22] =	ssyncset.done $0x0  }
0xa0: {  	[sflag:s22] =	ssyncadd.s32 s3;
	_ =	sdelay $0x1  }
0xa1: {  	s23 =	simm.s32 $0x1B8B  }
0xa2: {  	_ =	swait.ge [sflag:s23], $0x1  }
0xa3: {  	[sflag:s23] =	ssyncset.done $0x0  }
0xa4: {  	s25 =	simm.s32 $0x1B8E;
	s24 =	sld [smem:$0x3FFE];
	[sflag:s23] =	ssyncadd.s32 $0xFFFFFFFF  }
0xa5: {  	s26 =	simm.s32 $execute0_lowered;
	[smem:$0x3FD2] =	sst s25  }
0xa6: {  	s4 =	sshll.u32 s26, $0x1;
	_ =	strace $0x80000046;
	[dreg:$0x1] =	wrdreg $0xFFFFFFFF  }
0xa7: {  	s28 =	simm.s32 $_size_execute0_lowered;
	s2 =	sadd.s32 s2, s4;
	[dreg:$0x0] =	wrdreg $0x0  }
0xa8: {  	s4 =	sshll.u32 s28, $0x1;
	[dreg:$0x2] =	wrdreg s2  }
0xa9: {  	[dreg:$0x3] =	wrdreg s4  }
0xaa: {  	[dreg:$0x4] =	wrdreg $0xC0  }
0xab: {  	_ =	task [dreg:s6], $0x5FFFF  }
0xac: {  	[dreg:$0x1] =	wrdreg $0xFFFFFFFF  }
0xad: {  	[dreg:$0x0] =	wrdreg $0x60  }
0xae: {  	[dreg:$0x2] =	wrdreg s24  }
0xaf: {  	[dreg:$0x3] =	wrdreg $0x120000  }
0xb0: {  	[dreg:$0x4] =	wrdreg $0x9  }
0xb1: {  	_ =	task.clear_ibuf [dreg:s6], $0x5FFFF;
	_ =	strace $0x90000046  }
0xb2: {  	s29 =	simm.s32 $0x9;
	_ =	strace $0x80000048  }
0xb3: {  	_ =	swait.ge [sflag:s29], $0x1  }
0xb4: {  	[sflag:s29] =	ssyncadd.s32 $0xFFFFFFFF  }
0xb5: {  	_ =	strace $0x90000048  }
0xb6: {  	_ =	sfence  }
0xb7: {  	s30 =	sld [smem:$0x0];
	_ =	sdelay $0x2  }
0xb8: {  	s31 =	sshll.u32 s1, $0xD;
	s1 =	sshrl.u32 s1, $0x2  }
0xb9: {  	s3 =	sand.u32 $0x4000, s31;
	s1 =	sadd.s32 s1, s30  }
0xba: {  	s0 =	sor.u32 s3, s0;
	s1 =	sshll.u32 s1, $0x11  }
0xbb: {  	s0 =	sor.u32 s1, s0  }
0xbc: {  	s0 =	sadd.s32 $0x8F2B, s0  }
0xbd: {  	[sflag:s0] =	ssyncadd.remote.s32 $0x1  }
0xbe: {  	_ =	sfence.sel $0xFFFF  }
0xbf: {  	[dreg:$0x0] =	wrdreg $0xFFFFFFFF;
	(pc) =	sbr.abs _section_cstart, $3  }
0xc0: {  	[dreg:$0x1] =	wrdreg $0xFFFFFFFF  }
0xc1: {  	_ =	task.clear_ibuf [dreg:s6], $0x2FFFF;
	_ =	strace $0x9FFFFFFF  }
0xc2: {  	(tm) =	ssettm $0x7FFFFFFF  }
0xc3: {  	_ =	shalt  }
tec
execute0_lowered:
.L_overlay_start_1:
0x0: {  	(tag) =	ssettag $0x1  }
0x1: {  	s0 =	rddreg [dreg:$0x0]  }
0x2: {  	s1 =	srdreg.scid;
	s2 =	rddreg [dreg:$0x1]  }
0x3: {  	s24 =	stileid.u32;
	s3 =	simm.s32 $0x0;
	s14 =	simm.s32 $0x80  }
0x4: {  	s15 =	simm.s32 $0xA000;
	s16 =	simm.s32 $0xC000;
	s17 =	simm.s32 $0x100  }
0x5: {  	s18 =	simm.s32 $0xE000;
	s19 =	simm.s32 $0x180;
	s20 =	simm.s32 $0x10000  }
0x6: {  	s21 =	simm.s32 $0x3;
	s22 =	simm.s32 $0x4;
	s23 =	simm.s32 $0x1  }
0x7: {  	s28 =	simm.s32 $0x9F00;
	s29 =	simm.s32 $0x9F80;
	s7 =	smul.u32 $0xA00, s24  }
0x8: {  	s30 =	simm.s32 $0x0;
	s5 =	sand.u32 $0x1, s1;
	s8 =	smul.u32 $0xA000, s24  }
0x9: {  	[smem:$0x7FF] =	sst s3;
	s9 =	smul.u32 $0x1400, s24;
	s4 =	sadd.s32 $0x16A00, s0  }
0xa: {  	s31 =	sshll.u32 s24, $0x6;
	s24 =	simm.s32 $0x2;
	s6 =	smul.u32 $0xA000, s5  }
0xb: {  	_ =	strace $0x80000047;
	s10 =	smul.u32 $0x14000, s5;
	s5 =	ssub.s32 $0x2, s5  }
0xc: {  	s12 =	sor.u32 $0x1C05, s31;
	s11 =	sshrl.u32 s8, $0x3;
	s25 =	sshrl.u32 s5, $0x1  }
0xd: {  	s13 =	sadd.s32 s8, s2;
	s6 =	sadd.s32 s7, s6;
	s7 =	sadd.s32 s7, s0  }
0xe: {  	s9 =	sadd.s32 s9, s10;
	s11 =	sadd.s32 s11, s0;
	s26 =	ssub.s32 s5, s25  }
0xf: {  	s10 =	simm.s32 $0x5;
	s13 =	sshrl.u32 s13, $0x3;
	s25 =	simm.s32 $0x9E00  }
0x10: {  	s6 =	sadd.s32 s6, s0;
	s0 =	sadd.s32 s9, s0;
	s9 =	smax.u32 s26, $0x1  }
0x11: {  	s26 =	simm.s32 $0x9E80;
	s5 =	sadd.s32 $0x2A00, s6;
	s6 =	sadd.s32 $0x3EA00, s7  }
0x12: {  	s7 =	sadd.s32 $0x48A00, s11;
	s8 =	sadd.s32 $0x5CA00, s0;
	s11 =	simm.s32 $0x5000  }
.LBB2_1:
0x13: {  	[tilespmem:s3], [sflag:$0x5] =	stream.linear.gather [hbm4b:s5+s3], $0x5000, $0x38;
	[tilespmem:$0x1C000] =	vst v63  }
0x14: {  	_ =	swait.ge [sflag:s10], $0x5000  }
0x15: {  	[sflag:s10] =	ssyncset.done $0x0  }
0x16: {  	[sflag:s10] =	ssyncadd.s32 $0xFFFFB000  }
0x17: {  	[tilespmem:s11], [sflag:$0x5] =	stream.linear.gather [hbm4b:s6+s3], $0x5000, $0x38;
	[tilespmem:$0x1C000] =	vst v63  }
0x18: {  	_ =	swait.ge [sflag:s10], $0x5000  }
0x19: {  	[sflag:s10] =	ssyncset.done $0x0  }
0x1a: {  	[sflag:s10] =	ssyncadd.s32 $0xFFFFB000  }
0x1b: {  	[spmem:s13], [sflag:s12] =	dma.local [hbm:s7], $0x1400  }
0x1c: {  	_ =	swait.ge [sflag:s10], $0x1400  }
0x1d: {  	[sflag:s10] =	ssyncset.done $0x0  }
0x1e: {  	[sflag:s10] =	ssyncadd.s32 $0xFFFFEC00  }
0x1f: {  	[bflag:$0x0] =	sbarrier.arrive $0xFFFF  }
0x20: {  	[tilespmem:s15], [sflag:$0x3] =	stream.indirect.gather [hbm4b:s4+s14], $0x40, s3, s14, $0xb8;
	[tilespmem:$0x1C000] =	vst v63  }
0x21: {  	_ = 	snop  }
0x22: {  	[tilespmem:s16], [sflag:$0x4] =	stream.indirect.gather [hbm4b:s4+s14], $0x40, s14, s14, $0xb8;
	[tilespmem:$0x1C000] =	vst v63  }
0x23: {  	_ = 	snop  }
0x24: {  	[tilespmem:s18], [sflag:$0x1] =	stream.indirect.gather [hbm4b:s4+s14], $0x40, s17, s14, $0xb8;
	[tilespmem:$0x1C000] =	vst v63  }
0x25: {  	_ = 	snop  }
0x26: {  	[tilespmem:s20], [sflag:$0x2] =	stream.indirect.gather [hbm4b:s4+s14], $0x40, s19, s14, $0xb8;
	[tilespmem:$0x1C000] =	vst v63  }
0x27: {  	_ =	swait.ge [sflag:s21], $0x2000  }
0x28: {  	[sflag:s21] =	ssyncset.done $0x0  }
0x29: {  	s0 =	simm.s32 $0x5000;
	[sflag:s21] =	ssyncadd.s32 $0xFFFFE000  }
0x2a: {  	[spmem:s2] =	stream.indirect.scatter.add.f32 [tilespmem:s15], [sflag:$0x5], $0x40, s0, s14, $0xb8;
	[tilespmem:$0x1C000] =	vst v63  }
0x2b: {  	_ =	swait.ge [sflag:s10], $0x2000  }
0x2c: {  	[sflag:s10] =	ssyncset.done $0x0  }
0x2d: {  	s1 =	simm.s32 $0x200;
	[sflag:s10] =	ssyncadd.s32 $0xFFFFE000  }
0x2e: {  	[tilespmem:s15], [sflag:$0x3] =	stream.indirect.gather [hbm4b:s4+s14], $0x40, s1, s14, $0xb8;
	[tilespmem:$0x1C000] =	vst v63  }
0x2f: {  	_ =	swait.ge [sflag:s22], $0x2000  }
0x30: {  	[sflag:s22] =	ssyncset.done $0x0  }
0x31: {  	s1 =	simm.s32 $0x5080;
	[sflag:s22] =	ssyncadd.s32 $0xFFFFE000  }
0x32: {  	[spmem:s2] =	stream.indirect.scatter.add.f32 [tilespmem:s16], [sflag:$0x5], $0x40, s1, s14, $0xb8;
	[tilespmem:$0x1C000] =	vst v63  }
0x33: {  	_ =	swait.ge [sflag:s10], $0x2000  }
0x34: {  	[sflag:s10] =	ssyncset.done $0x0  }
0x35: {  	s1 =	simm.s32 $0x280;
	[sflag:s10] =	ssyncadd.s32 $0xFFFFE000  }
0x36: {  	[tilespmem:s16], [sflag:$0x4] =	stream.indirect.gather [hbm4b:s4+s14], $0x40, s1, s14, $0xb8;
	[tilespmem:$0x1C000] =	vst v63  }
0x37: {  	_ =	swait.ge [sflag:s23], $0x2000  }
0x38: {  	[sflag:s23] =	ssyncset.done $0x0  }
0x39: {  	s1 =	simm.s32 $0x5100;
	[sflag:s23] =	ssyncadd.s32 $0xFFFFE000  }
0x3a: {  	[spmem:s2] =	stream.indirect.scatter.add.f32 [tilespmem:s18], [sflag:$0x5], $0x40, s1, s14, $0xb8;
	[tilespmem:$0x1C000] =	vst v63  }
0x3b: {  	_ =	swait.ge [sflag:s10], $0x2000  }
0x3c: {  	[sflag:s10] =	ssyncset.done $0x0  }
0x3d: {  	s1 =	simm.s32 $0x300;
	[sflag:s10] =	ssyncadd.s32 $0xFFFFE000  }
0x3e: {  	[tilespmem:s18], [sflag:$0x1] =	stream.indirect.gather [hbm4b:s4+s14], $0x40, s1, s14, $0xb8;
	[tilespmem:$0x1C000] =	vst v63  }
0x3f: {  	_ =	swait.ge [sflag:s24], $0x2000  }
0x40: {  	[sflag:s24] =	ssyncset.done $0x0  }
0x41: {  	s1 =	simm.s32 $0x5180;
	[sflag:s24] =	ssyncadd.s32 $0xFFFFE000  }
0x42: {  	[spmem:s2] =	stream.indirect.scatter.add.f32 [tilespmem:s20], [sflag:$0x5], $0x40, s1, s14, $0xb8;
	[tilespmem:$0x1C000] =	vst v63  }
0x43: {  	_ =	swait.ge [sflag:s10], $0x2000  }
0x44: {  	[sflag:s10] =	ssyncset.done $0x0  }
0x45: {  	s31 =	simm.s32 $0x800;
	s0 =	simm.s32 $0x380;
	[sflag:s10] =	ssyncadd.s32 $0xFFFFE000  }
.LBB2_2:
0x46: {  	[tilespmem:s20], [sflag:$0x2] =	stream.indirect.gather [hbm4b:s4+s14], $0x40, s0, s14, $0xb8;
	[tilespmem:$0x1C000] =	vst v63  }
0x47: {  	s0 =	smov.u32 s31  }
0x48: {  	p0 =	sne.s32 s31, $0x13000;
	s31 =	sadd.s32 $0x800, s31;
	_ =	swait.ge [sflag:s21], $0x2000  }
0x49: {  	s0 =	sshra.s32 s0, $0x2;
	[sflag:s21] =	ssyncset.done $0x0  }
0x4a: {  	s1 =	sadd.s32 $0x5000, s0;
	[sflag:s21] =	ssyncadd.s32 $0xFFFFE000  }
0x4b: {  	[spmem:s2] =	stream.indirect.scatter.add.f32 [tilespmem:s15], [sflag:$0x5], $0x40, s1, s14, $0xb8;
	[tilespmem:$0x1C000] =	vst v63  }
0x4c: {  	_ =	swait.ge [sflag:s10], $0x2000  }
0x4d: {  	[sflag:s10] =	ssyncset.done $0x0  }
0x4e: {  	s1 =	sadd.s32 $0x200, s0;
	[sflag:s10] =	ssyncadd.s32 $0xFFFFE000  }
0x4f: {  	[tilespmem:s15], [sflag:$0x3] =	stream.indirect.gather [hbm4b:s4+s14], $0x40, s1, s14, $0xb8;
	[tilespmem:$0x1C000] =	vst v63  }
0x50: {  	_ =	swait.ge [sflag:s22], $0x2000  }
0x51: {  	[sflag:s22] =	ssyncset.done $0x0  }
0x52: {  	s1 =	sadd.s32 $0x5080, s0;
	[sflag:s22] =	ssyncadd.s32 $0xFFFFE000  }
0x53: {  	[spmem:s2] =	stream.indirect.scatter.add.f32 [tilespmem:s16], [sflag:$0x5], $0x40, s1, s14, $0xb8;
	[tilespmem:$0x1C000] =	vst v63  }
0x54: {  	_ =	swait.ge [sflag:s10], $0x2000  }
0x55: {  	[sflag:s10] =	ssyncset.done $0x0  }
0x56: {  	s1 =	sadd.s32 $0x280, s0;
	[sflag:s10] =	ssyncadd.s32 $0xFFFFE000  }
0x57: {  	[tilespmem:s16], [sflag:$0x4] =	stream.indirect.gather [hbm4b:s4+s14], $0x40, s1, s14, $0xb8;
	[tilespmem:$0x1C000] =	vst v63  }
0x58: {  	_ =	swait.ge [sflag:s23], $0x2000  }
0x59: {  	[sflag:s23] =	ssyncset.done $0x0  }
0x5a: {  	s1 =	sadd.s32 $0x5100, s0;
	[sflag:s23] =	ssyncadd.s32 $0xFFFFE000  }
0x5b: {  	[spmem:s2] =	stream.indirect.scatter.add.f32 [tilespmem:s18], [sflag:$0x5], $0x40, s1, s14, $0xb8;
	[tilespmem:$0x1C000] =	vst v63  }
0x5c: {  	_ =	swait.ge [sflag:s10], $0x2000  }
0x5d: {  	[sflag:s10] =	ssyncset.done $0x0  }
0x5e: {  	s1 =	sadd.s32 $0x300, s0;
	[sflag:s10] =	ssyncadd.s32 $0xFFFFE000  }
0x5f: {  	[tilespmem:s18], [sflag:$0x1] =	stream.indirect.gather [hbm4b:s4+s14], $0x40, s1, s14, $0xb8;
	[tilespmem:$0x1C000] =	vst v63  }
0x60: {  	_ =	swait.ge [sflag:s24], $0x2000  }
0x61: {  	[sflag:s24] =	ssyncset.done $0x0  }
.Ltmp0:
0x62: {  	s1 =	sadd.s32 $0x5180, s0;
	[sflag:s24] =	ssyncadd.s32 $0xFFFFE000;
	(pc) =	sbr.rel @p0 .LBB2_2-.Ltmp0, $4  }
0x63: {  	[spmem:s2] =	stream.indirect.scatter.add.f32 [tilespmem:s20], [sflag:$0x5], $0x40, s1, s14, $0xb8;
	[tilespmem:$0x1C000] =	vst v63  }
0x64: {  	_ =	swait.ge [sflag:s10], $0x2000  }
0x65: {  	[sflag:s10] =	ssyncset.done $0x0  }
0x66: {  	s0 =	sadd.s32 $0x380, s0;
	[sflag:s10] =	ssyncadd.s32 $0xFFFFE000  }
0x67: {  	[tilespmem:s20], [sflag:$0x2] =	stream.indirect.gather [hbm4b:s4+s14], $0x40, s0, s14, $0xb8;
	[tilespmem:$0x1C000] =	vst v63  }
0x68: {  	_ =	swait.ge [sflag:s21], $0x2000  }
0x69: {  	[sflag:s21] =	ssyncset.done $0x0  }
0x6a: {  	[sflag:s21] =	ssyncadd.s32 $0xFFFFE000  }
0x6b: {  	[spmem:s2] =	stream.indirect.scatter.add.f32 [tilespmem:s15], [sflag:$0x5], $0x40, s25, s14, $0xb8;
	[tilespmem:$0x1C000] =	vst v63  }
0x6c: {  	_ =	swait.ge [sflag:s10], $0x2000  }
0x6d: {  	[sflag:s10] =	ssyncset.done $0x0  }
0x6e: {  	[sflag:s10] =	ssyncadd.s32 $0xFFFFE000  }
0x6f: {  	_ =	swait.ge [sflag:s22], $0x2000  }
0x70: {  	[sflag:s22] =	ssyncset.done $0x0  }
0x71: {  	[sflag:s22] =	ssyncadd.s32 $0xFFFFE000  }
0x72: {  	[spmem:s2] =	stream.indirect.scatter.add.f32 [tilespmem:s16], [sflag:$0x5], $0x40, s26, s14, $0xb8;
	[tilespmem:$0x1C000] =	vst v63  }
0x73: {  	_ =	swait.ge [sflag:s10], $0x2000  }
0x74: {  	[sflag:s10] =	ssyncset.done $0x0  }
0x75: {  	[sflag:s10] =	ssyncadd.s32 $0xFFFFE000  }
0x76: {  	_ =	swait.ge [sflag:s23], $0x2000  }
0x77: {  	[sflag:s23] =	ssyncset.done $0x0  }
0x78: {  	[sflag:s23] =	ssyncadd.s32 $0xFFFFE000  }
0x79: {  	[spmem:s2] =	stream.indirect.scatter.add.f32 [tilespmem:s18], [sflag:$0x5], $0x40, s28, s14, $0xb8;
	[tilespmem:$0x1C000] =	vst v63  }
0x7a: {  	_ =	swait.ge [sflag:s10], $0x2000  }
0x7b: {  	[sflag:s10] =	ssyncset.done $0x0  }
0x7c: {  	[sflag:s10] =	ssyncadd.s32 $0xFFFFE000  }
0x7d: {  	_ =	swait.ge [sflag:s24], $0x2000  }
0x7e: {  	[sflag:s24] =	ssyncset.done $0x0  }
0x7f: {  	[sflag:s24] =	ssyncadd.s32 $0xFFFFE000  }
0x80: {  	[spmem:s2] =	stream.indirect.scatter.add.f32 [tilespmem:s20], [sflag:$0x5], $0x40, s29, s14, $0xb8;
	[tilespmem:$0x1C000] =	vst v63  }
0x81: {  	_ =	swait.ge [sflag:s10], $0x2000  }
0x82: {  	s30 =	sadd.s32 $0x1, s30;
	[sflag:s10] =	ssyncset.done $0x0  }
0x83: {  	p0 =	sne.s32 s30, s9;
	[sflag:s10] =	ssyncadd.s32 $0xFFFFE000  }
.Ltmp1:
0x84: {  	[bflag:$0x0] =	sbarrier.arrive $0xFFFF;
	(pc) =	sbr.rel @p0 .LBB2_1-.Ltmp1, $4  }
0x85: {  	[hbm:s8], [sflag:s12] =	dma.local [spmem:s13], $0x1400  }
0x86: {  	_ =	swait.ge [sflag:s10], $0x1400  }
0x87: {  	[sflag:s10] =	ssyncset.done $0x0  }
0x88: {  	[sflag:s10] =	ssyncadd.s32 $0xFFFFEC00  }
0x89: {  	_ =	sfence.sel $0x180000  }
0x8a: {  	[bflag:$0x0] =	sbarrier.arrive $0xFFFF  }
0x8b: {  	_ =	strace $0x90000047  }
0x8c: {  	s0 =	stileid.u32;
	[bflag:$0x2] =	sbarrier.arrive $0xFFFF  }
0x8d: {  	p0 =	sne.s32 s0, $0x0;
	s0 =	rddreg [dreg:$0x2]  }
0x8e: {  	s0 =	sadd.s32 @!p0 $0x100000, s0  }
0x8f: {  	[sflag:s0] =	ssyncadd.tile.s32 @!p0 $0x1;
	_ =	shalt  }
.Lfunc_end2:
_tile_overlayer_lowered:
.L_overlay_start_2:
0x90: {  	(tag) =	ssettag $0x2  }
0x91: {  	s0 =	rddreg [dreg:$0x0];
	s2 =	stileid.u32  }
0x92: {  	s1 =	rddreg [dreg:$0x1];
	p0 =	sne.s32 s2, $0x0  }
0x93: {  	s3 =	rddreg [dreg:$0x2];
	[bflag:$0x3] =	sbarrier.arrive $0xFFFF;
	s2 =	simm.s32 @!p0 $0x1C05  }
0x94: {  	[timem:s3], [sflag:s2] =	dma.local @!p0 [hbm:s0], s1  }
0x95: {  	s0 =	simm.s32 @!p0 $0x5  }
0x96: {  	_ =	swait.ge @!p0 [sflag:s0], s1  }
0x97: {  	s1 =	ssub.s32 @!p0 $0x0, s1;
	[sflag:s0] =	ssyncset.done @!p0 $0x0  }
0x98: {  	[sflag:s0] =	ssyncadd.s32 @!p0 s1  }
0x99: {  	[bflag:$0x3] =	sbarrier.arrive $0xFFFF  }
0x9a: {  	_ =	shalt  }

</sc_bundles>
